<compile_context>
chip_gen: v7x
topology: tpu7x:2x2x1
jax: 0.10.2.dev20260603
libtpu: 0.0.44.dev20260713+nightly
codegen_flags: <defaults>
</compile_context>

<pallas_src>
import functools

import jax
import jax.numpy as jnp
from jax import lax
from jax.experimental import pallas as pl
from jax.experimental.pallas import tpu as pltpu
from jax.experimental.pallas import tpu_sc as plsc

N, E, D, H, L = 10000, 160000, 256, 256, 64
DHALF = D // 2
NC, NS = 2, 16
CHUNK = 128
NBUF = 3
NCHUNK = 81
EPT = NCHUNK * CHUNK
EPAD = EPT * NS
NPAD = 10112
ZROWS = NPAD // NS
XLAST = N - (NS - 1) * ZROWS

_mesh = plsc.VectorSubcoreMesh(core_axis_name="c", subcore_axis_name="s")


@functools.partial(
    pl.kernel,
    mesh=_mesh,
    out_type=[
        jax.ShapeDtypeStruct((NPAD, DHALF), jnp.bfloat16),
        jax.ShapeDtypeStruct((NPAD, DHALF), jnp.bfloat16),
    ],
    scratch_types=[
        pltpu.VMEM((NCHUNK, CHUNK), jnp.int32),
        pltpu.VMEM((NCHUNK, CHUNK), jnp.int32),
        pltpu.VMEM((NBUF, CHUNK, DHALF), jnp.bfloat16),
        pltpu.SemaphoreType.DMA((NBUF,)),
        pltpu.SemaphoreType.DMA((NBUF,)),
        pltpu.VMEM_SHARED((NPAD, DHALF), jnp.bfloat16),
        pltpu.VMEM_SHARED((NPAD, DHALF), jnp.bfloat16),
    ],
    compiler_params=pltpu.CompilerParams(use_tc_tiling_on_sc=False),
)
def _sc_agg(xl_hbm, xr_hbm, src_hbm, dst_hbm, z0_hbm, out0_hbm, out1_hbm,
            src_v, dst_v, rows_v, gsem, ssem, acc_sh, x_sh):
    cid = lax.axis_index("c")
    sid = lax.axis_index("s")

    pltpu.sync_copy(src_hbm.at[sid], src_v)
    pltpu.sync_copy(dst_hbm.at[sid], dst_v)

    def run(xtab, out):
        @pl.when(sid < NS - 1)
        def _():
            pltpu.sync_copy(xtab.at[pl.ds(sid * ZROWS, ZROWS)],
                            x_sh.at[pl.ds(sid * ZROWS, ZROWS)])

        @pl.when(sid == NS - 1)
        def _():
            pltpu.sync_copy(xtab.at[pl.ds((NS - 1) * ZROWS, XLAST)],
                            x_sh.at[pl.ds((NS - 1) * ZROWS, XLAST)])

        pltpu.sync_copy(z0_hbm, acc_sh.at[pl.ds(sid * ZROWS, ZROWS)])
        plsc.subcore_barrier()

        def gather_start(c, b):
            pltpu.async_copy(x_sh.at[src_v.at[c]], rows_v.at[b], gsem.at[b])

        def gather_wait(c, b):
            pltpu.make_async_copy(x_sh.at[src_v.at[c]], rows_v.at[b],
                                  gsem.at[b]).wait()

        def scatter_start(c, b):
            pltpu.async_copy(rows_v.at[b], acc_sh.at[dst_v.at[c]],
                             ssem.at[b], add=True)

        def scatter_wait(c, b):
            pltpu.make_async_copy(rows_v.at[b], acc_sh.at[dst_v.at[c]],
                                  ssem.at[b]).wait()

        for b in range(NBUF):
            gather_start(b, b)

        def body(i, _):
            c0 = i * NBUF
            for b in range(NBUF):
                gather_wait(c0 + b, b)
                scatter_start(c0 + b, b)
            for b in range(NBUF):
                scatter_wait(c0 + b, b)
                nxt = c0 + b + NBUF

                @pl.when(nxt < NCHUNK)
                def _():
                    gather_start(nxt, b)
            return 0
        lax.fori_loop(0, NCHUNK // NBUF, body, 0)
        plsc.subcore_barrier()
        pltpu.sync_copy(acc_sh.at[pl.ds(sid * ZROWS, ZROWS)],
                        out.at[pl.ds(sid * ZROWS, ZROWS)])

    @pl.when(cid == 0)
    def _():
        run(xl_hbm, out0_hbm)

    @pl.when(cid == 1)
    def _():
        run(xr_hbm, out1_hbm)


def _dense_body(x_ref, al_ref, ar_ref, wmt_ref, wmb_ref, whx_ref, wha_ref,
                bh_ref, rmw_ref, rmb_ref, rvw_ref, rvb_ref, eps_ref, z_ref):
    aggm = (jnp.dot(al_ref[...].astype(jnp.float32), wmt_ref[...],
                    preferred_element_type=jnp.float32)
            + jnp.dot(ar_ref[...].astype(jnp.float32), wmb_ref[...],
                      preferred_element_type=jnp.float32))
    h = jnp.maximum(
        jnp.dot(x_ref[...], whx_ref[...], preferred_element_type=jnp.float32)
        + jnp.dot(aggm, wha_ref[...], preferred_element_type=jnp.float32)
        + bh_ref[...], 0.0)
    zm = jnp.dot(h, rmw_ref[...], preferred_element_type=jnp.float32) + rmb_ref[...]
    zlv = -jnp.abs(jnp.dot(h, rvw_ref[...], preferred_element_type=jnp.float32)
                   + rvb_ref[...])
    z_ref[...] = zm + jnp.exp(zlv * 0.5) * eps_ref[...]


_ROWS = 2000


def _dense(x, al, ar, W_m, whx, wha, b_h, R_mean_w, R_mean_b, R_var_w,
           R_var_b, eps):
    grid = (N // _ROWS,)
    full = lambda shape: pl.BlockSpec(shape, lambda i: (0, 0))
    return pl.pallas_call(
        _dense_body,
        grid=grid,
        in_specs=[
            pl.BlockSpec((_ROWS, D), lambda i: (i, 0)),
            pl.BlockSpec((_ROWS, DHALF), lambda i: (i, 0)),
            pl.BlockSpec((_ROWS, DHALF), lambda i: (i, 0)),
            full((DHALF, H)),
            full((DHALF, H)),
            full((D, H)),
            full((H, H)),
            full((1, H)),
            full((H, L)),
            full((1, L)),
            full((H, L)),
            full((1, L)),
            pl.BlockSpec((_ROWS, L), lambda i: (i, 0)),
        ],
        out_specs=pl.BlockSpec((_ROWS, L), lambda i: (i, 0)),
        out_shape=jax.ShapeDtypeStruct((N, L), jnp.float32),
    )(x, al, ar, W_m[:DHALF], W_m[DHALF:], whx, wha, b_h.reshape(1, H),
      R_mean_w, R_mean_b.reshape(1, L), R_var_w, R_var_b.reshape(1, L), eps)


def kernel(x, edge_index, W_m, W_h, b_h, R_mean_w, R_mean_b, R_var_w, R_var_b):
    src = edge_index[0]
    dst = edge_index[1]
    pad = EPAD - E
    src_p = jnp.concatenate([src, jnp.zeros((pad,), jnp.int32)]
                            ).reshape(NS, NCHUNK, CHUNK)
    dst_p = jnp.concatenate([dst, jnp.full((pad,), N, jnp.int32)]
                            ).reshape(NS, NCHUNK, CHUNK)
    xb = x.astype(jnp.bfloat16)
    xl = xb[:, :DHALF]
    xr = xb[:, DHALF:]
    z0 = jnp.zeros((ZROWS, DHALF), jnp.bfloat16)
    aggl, aggr = _sc_agg(xl, xr, src_p, dst_p, z0)
    eps = jax.random.normal(jax.random.key(1), (N, L), dtype=jnp.float32)
    return _dense(x, aggl, aggr, W_m, W_h[:D], W_h[D:], b_h,
                  R_mean_w, R_mean_b, R_var_w, R_var_b, eps)

# --- scband reference (transcript-rebuilt; emitter-appended) ---
"""Pipeline reference for scband-multi-vae-74766790689057 (READ-ONLY COPY).

The authoritative reference and input builder live on the scoring server;
editing this copy changes nothing except your own understanding.
"""

import jax, jax.numpy as jnp
import numpy as np

N, E, D, H, L = 10000, 160000, 256, 256, 64


def setup_inputs(seed: int = 0) -> dict:
    key = jax.random.key(seed)
    ks = jax.random.split(key, 10)
    x = jax.random.normal(ks[0], (N, D), dtype=jnp.float32)
    edge_index = jax.random.randint(ks[1], (2, E), 0, N, dtype=jnp.int32)
    # learned parameters (message MLP + node update + latent rsample heads R_mean/R_var)
    W_m = jax.random.normal(ks[2], (D, H), dtype=jnp.float32) * 0.05
    W_h = jax.random.normal(ks[3], (D + H, H), dtype=jnp.float32) * 0.05
    b_h = jnp.zeros((H,), dtype=jnp.float32)
    R_mean_w = jax.random.normal(ks[4], (H, L), dtype=jnp.float32) * 0.05
    R_mean_b = jnp.zeros((L,), dtype=jnp.float32)
    R_var_w = jax.random.normal(ks[5], (H, L), dtype=jnp.float32) * 0.05
    R_var_b = jnp.zeros((L,), dtype=jnp.float32)
    return {"x": x, "edge_index": edge_index, "W_m": W_m, "W_h": W_h, "b_h": b_h,
            "R_mean_w": R_mean_w, "R_mean_b": R_mean_b, "R_var_w": R_var_w, "R_var_b": R_var_b}


def reference(x, edge_index, W_m, W_h, b_h, R_mean_w, R_mean_b, R_var_w, R_var_b):
    # hierarchical message passing core: gather source node states, transform,
    # scatter-add into destination nodes (index_select_ND + aggregation in HierEncoder)
    src = edge_index[0]
    dst = edge_index[1]
    msgs = jnp.take(x, src, axis=0) @ W_m            # gather + dense transform
    agg = jax.ops.segment_sum(msgs, dst, num_segments=x.shape[0])  # scatter-add
    h = jax.nn.relu(jnp.concatenate([x, agg], axis=-1) @ W_h + b_h)
    # rsample: z_mean = W_mean(h); z_log_var = -|W_var(h)|; z = mu + exp(lv/2)*eps
    z_mean = h @ R_mean_w + R_mean_b
    z_log_var = -jnp.abs(h @ R_var_w + R_var_b)
    eps = jax.random.normal(jax.random.key(1), z_mean.shape, dtype=jnp.float32)
    z = z_mean + jnp.exp(z_log_var / 2.0) * eps
    return z

if __name__ == "__main__":
    import jax
    _d = setup_inputs()
    print(jax.jit(kernel)(*tuple(_d.values())))

</pallas_src>

<mosaic_0001>
#map = affine_map<(d0, d1) -> (0, 0)>
#map1 = affine_map<(d0, d1) -> (0, 0, 0)>
module attributes {stable_mosaic.version = 14 : i64} {
  func.func @_sc_agg(%arg0: i32, %arg1: i32, %arg2: memref<10000x128xbf16, #tpu.memory_space<hbm>>, %arg3: memref<10000x128xbf16, #tpu.memory_space<hbm>>, %arg4: memref<16x81x128xi32, #tpu.memory_space<hbm>>, %arg5: memref<16x81x128xi32, #tpu.memory_space<hbm>>, %arg6: memref<632x128xbf16, #tpu.memory_space<hbm>>, %arg7: memref<10112x128xbf16, #tpu.memory_space<hbm>>, %arg8: memref<10112x128xbf16, #tpu.memory_space<hbm>>, %arg9: memref<81x128xi32, #tpu.memory_space<vmem>>, %arg10: memref<81x128xi32, #tpu.memory_space<vmem>>, %arg11: memref<3x128x128xbf16, #tpu.memory_space<vmem>>, %arg12: memref<3x!tpu.dma_semaphore, #tpu.memory_space<semaphore_mem>>, %arg13: memref<3x!tpu.dma_semaphore, #tpu.memory_space<semaphore_mem>>, %arg14: memref<10112x128xbf16, #tpu.memory_space<vmem_shared>>, %arg15: memref<10112x128xbf16, #tpu.memory_space<vmem_shared>>) attributes {dimension_semantics = [#tpu.dimension_semantics<core_parallel>, #tpu.dimension_semantics<subcore_parallel>], iteration_bounds = array<i64: 2, 16>, scalar_prefetch = 0 : i64, scratch_operands = 7 : i64, tpu.core_type = #tpu.core_type<sc_vector_subcore>, window_params = [{transform_indices = #map}, {transform_indices = #map}, {transform_indices = #map1}, {transform_indices = #map1}, {transform_indices = #map}, {transform_indices = #map}, {transform_indices = #map}]} {
    "tpu.region"() ({
      %run_scoped3A = tpu.sem_alloc : memref<!tpu.dma_semaphore, #tpu.memory_space<semaphore_mem>>
      %dma_start3A = arith.constant 0 : i32
      %dma_start3A_7 = arith.constant 0 : i32
      %dma_start3A_8 = tpu.memref_slice %arg4[%arg1, %dma_start3A, %dma_start3A_7] : memref<16x81x128xi32, #tpu.memory_space<hbm>> -> memref<1x81x128xi32, #tpu.memory_space<hbm>>
      %dma_start3A_9 = tpu.memref_squeeze %dma_start3A_8 : memref<1x81x128xi32, #tpu.memory_space<hbm>> -> memref<81x128xi32, #tpu.memory_space<hbm>>
      %dma_start3A_10 = arith.constant 0 : i32
      %dma_start3A_11 = arith.constant 0 : i32
      %dma_start3A_12 = tpu.memref_slice %arg4[%arg1, %dma_start3A_10, %dma_start3A_11] : memref<16x81x128xi32, #tpu.memory_space<hbm>> -> memref<1x81x128xi32, #tpu.memory_space<hbm>>
      %dma_start3A_13 = tpu.memref_squeeze %dma_start3A_12 : memref<1x81x128xi32, #tpu.memory_space<hbm>> -> memref<81x128xi32, #tpu.memory_space<hbm>>
      tpu.enqueue_dma source(%dma_start3A_13 : memref<81x128xi32, #tpu.memory_space<hbm>>) target(%arg9 : memref<81x128xi32, #tpu.memory_space<vmem>>) target_semaphore(%run_scoped3A : memref<!tpu.dma_semaphore, #tpu.memory_space<semaphore_mem>>)
      %dma_wait3A = arith.constant 0 : i32
      %dma_wait3A_14 = arith.constant 0 : i32
      %dma_wait3A_15 = tpu.memref_slice %arg4[%arg1, %dma_wait3A, %dma_wait3A_14] : memref<16x81x128xi32, #tpu.memory_space<hbm>> -> memref<1x81x128xi32, #tpu.memory_space<hbm>>
      %dma_wait3A_16 = tpu.memref_squeeze %dma_wait3A_15 : memref<1x81x128xi32, #tpu.memory_space<hbm>> -> memref<81x128xi32, #tpu.memory_space<hbm>>
      %dma_wait3A_17 = arith.constant 0 : i32
      %dma_wait3A_18 = arith.constant 0 : i32
      %dma_wait3A_19 = tpu.memref_slice %arg4[%arg1, %dma_wait3A_17, %dma_wait3A_18] : memref<16x81x128xi32, #tpu.memory_space<hbm>> -> memref<1x81x128xi32, #tpu.memory_space<hbm>>
      %dma_wait3A_20 = tpu.memref_squeeze %dma_wait3A_19 : memref<1x81x128xi32, #tpu.memory_space<hbm>> -> memref<81x128xi32, #tpu.memory_space<hbm>>
      tpu.wait_dma2 semaphore(%run_scoped3A : memref<!tpu.dma_semaphore, #tpu.memory_space<semaphore_mem>>) src(%dma_wait3A_20 : memref<81x128xi32, #tpu.memory_space<hbm>>) dst(%arg9 : memref<81x128xi32, #tpu.memory_space<vmem>>)
      tpu.yield
    }) : () -> ()
    "tpu.region"() ({
      %run_scoped3A = tpu.sem_alloc : memref<!tpu.dma_semaphore, #tpu.memory_space<semaphore_mem>>
      %dma_start3A = arith.constant 0 : i32
      %dma_start3A_7 = arith.constant 0 : i32
      %dma_start3A_8 = tpu.memref_slice %arg5[%arg1, %dma_start3A, %dma_start3A_7] : memref<16x81x128xi32, #tpu.memory_space<hbm>> -> memref<1x81x128xi32, #tpu.memory_space<hbm>>
      %dma_start3A_9 = tpu.memref_squeeze %dma_start3A_8 : memref<1x81x128xi32, #tpu.memory_space<hbm>> -> memref<81x128xi32, #tpu.memory_space<hbm>>
      %dma_start3A_10 = arith.constant 0 : i32
      %dma_start3A_11 = arith.constant 0 : i32
      %dma_start3A_12 = tpu.memref_slice %arg5[%arg1, %dma_start3A_10, %dma_start3A_11] : memref<16x81x128xi32, #tpu.memory_space<hbm>> -> memref<1x81x128xi32, #tpu.memory_space<hbm>>
      %dma_start3A_13 = tpu.memref_squeeze %dma_start3A_12 : memref<1x81x128xi32, #tpu.memory_space<hbm>> -> memref<81x128xi32, #tpu.memory_space<hbm>>
      tpu.enqueue_dma source(%dma_start3A_13 : memref<81x128xi32, #tpu.memory_space<hbm>>) target(%arg10 : memref<81x128xi32, #tpu.memory_space<vmem>>) target_semaphore(%run_scoped3A : memref<!tpu.dma_semaphore, #tpu.memory_space<semaphore_mem>>)
      %dma_wait3A = arith.constant 0 : i32
      %dma_wait3A_14 = arith.constant 0 : i32
      %dma_wait3A_15 = tpu.memref_slice %arg5[%arg1, %dma_wait3A, %dma_wait3A_14] : memref<16x81x128xi32, #tpu.memory_space<hbm>> -> memref<1x81x128xi32, #tpu.memory_space<hbm>>
      %dma_wait3A_16 = tpu.memref_squeeze %dma_wait3A_15 : memref<1x81x128xi32, #tpu.memory_space<hbm>> -> memref<81x128xi32, #tpu.memory_space<hbm>>
      %dma_wait3A_17 = arith.constant 0 : i32
      %dma_wait3A_18 = arith.constant 0 : i32
      %dma_wait3A_19 = tpu.memref_slice %arg5[%arg1, %dma_wait3A_17, %dma_wait3A_18] : memref<16x81x128xi32, #tpu.memory_space<hbm>> -> memref<1x81x128xi32, #tpu.memory_space<hbm>>
      %dma_wait3A_20 = tpu.memref_squeeze %dma_wait3A_19 : memref<1x81x128xi32, #tpu.memory_space<hbm>> -> memref<81x128xi32, #tpu.memory_space<hbm>>
      tpu.wait_dma2 semaphore(%run_scoped3A : memref<!tpu.dma_semaphore, #tpu.memory_space<semaphore_mem>>) src(%dma_wait3A_20 : memref<81x128xi32, #tpu.memory_space<hbm>>) dst(%arg10 : memref<81x128xi32, #tpu.memory_space<vmem>>)
      tpu.yield
    }) : () -> ()
    %eq3A = arith.constant 0 : i32
    %eq3A_0 = arith.cmpi eq, %arg0, %eq3A : i32
    %convert_element_type3A = arith.extui %eq3A_0 : i1 to i32
    %cond3A = arith.constant 0 : i32
    %cond3A_1 = arith.cmpi ne, %convert_element_type3A, %cond3A : i32
    scf.if %cond3A_1 {
      %lt3A = arith.constant 15 : i32
      %lt3A_7 = arith.cmpi slt, %arg1, %lt3A : i32
      %convert_element_type3A_8 = arith.extui %lt3A_7 : i1 to i32
      %cond3A_9 = arith.constant 0 : i32
      %cond3A_10 = arith.cmpi ne, %convert_element_type3A_8, %cond3A_9 : i32
      scf.if %cond3A_10 {
        %mul3A_72 = arith.constant 632 : i32
        %mul3A_73 = arith.muli %arg1, %mul3A_72 : i32
        %mul3A_74 = arith.constant 632 : i32
        %mul3A_75 = arith.muli %arg1, %mul3A_74 : i32
        "tpu.region"() ({
          %run_scoped3A = tpu.sem_alloc : memref<!tpu.dma_semaphore, #tpu.memory_space<semaphore_mem>>
          %dma_start3A_76 = arith.constant 0 : i32
          %dma_start3A_77 = tpu.memref_slice %arg15[%mul3A_75, %dma_start3A_76] : memref<10112x128xbf16, #tpu.memory_space<vmem_shared>> -> memref<632x128xbf16, #tpu.memory_space<vmem_shared>>
          %dma_start3A_78 = arith.constant 0 : i32
          %dma_start3A_79 = tpu.memref_slice %arg2[%mul3A_73, %dma_start3A_78] : memref<10000x128xbf16, #tpu.memory_space<hbm>> -> memref<632x128xbf16, #tpu.memory_space<hbm>>
          tpu.enqueue_dma source(%dma_start3A_79 : memref<632x128xbf16, #tpu.memory_space<hbm>>) target(%dma_start3A_77 : memref<632x128xbf16, #tpu.memory_space<vmem_shared>>) target_semaphore(%run_scoped3A : memref<!tpu.dma_semaphore, #tpu.memory_space<semaphore_mem>>)
          %dma_wait3A = arith.constant 0 : i32
          %dma_wait3A_80 = tpu.memref_slice %arg15[%mul3A_75, %dma_wait3A] : memref<10112x128xbf16, #tpu.memory_space<vmem_shared>> -> memref<632x128xbf16, #tpu.memory_space<vmem_shared>>
          %dma_wait3A_81 = arith.constant 0 : i32
          %dma_wait3A_82 = tpu.memref_slice %arg2[%mul3A_73, %dma_wait3A_81] : memref<10000x128xbf16, #tpu.memory_space<hbm>> -> memref<632x128xbf16, #tpu.memory_space<hbm>>
          tpu.wait_dma2 semaphore(%run_scoped3A : memref<!tpu.dma_semaphore, #tpu.memory_space<semaphore_mem>>) src(%dma_wait3A_82 : memref<632x128xbf16, #tpu.memory_space<hbm>>) dst(%dma_wait3A_80 : memref<632x128xbf16, #tpu.memory_space<vmem_shared>>)
          tpu.yield
        }) : () -> ()
      } else {
      }
      %eq3A_11 = arith.constant 15 : i32
      %eq3A_12 = arith.cmpi eq, %arg1, %eq3A_11 : i32
      %convert_element_type3A_13 = arith.extui %eq3A_12 : i1 to i32
      %cond3A_14 = arith.constant 0 : i32
      %cond3A_15 = arith.cmpi ne, %convert_element_type3A_13, %cond3A_14 : i32
      scf.if %cond3A_15 {
        "tpu.region"() ({
          %run_scoped3A = tpu.sem_alloc : memref<!tpu.dma_semaphore, #tpu.memory_space<semaphore_mem>>
          %dma_start3A_72 = arith.constant 9480 : i32
          %dma_start3A_73 = arith.constant 0 : i32
          %dma_start3A_74 = tpu.memref_slice %arg15[%dma_start3A_72, %dma_start3A_73] : memref<10112x128xbf16, #tpu.memory_space<vmem_shared>> -> memref<520x128xbf16, #tpu.memory_space<vmem_shared>>
          %dma_start3A_75 = arith.constant 9480 : i32
          %dma_start3A_76 = arith.constant 0 : i32
          %dma_start3A_77 = tpu.memref_slice %arg2[%dma_start3A_75, %dma_start3A_76] : memref<10000x128xbf16, #tpu.memory_space<hbm>> -> memref<520x128xbf16, #tpu.memory_space<hbm>>
          tpu.enqueue_dma source(%dma_start3A_77 : memref<520x128xbf16, #tpu.memory_space<hbm>>) target(%dma_start3A_74 : memref<520x128xbf16, #tpu.memory_space<vmem_shared>>) target_semaphore(%run_scoped3A : memref<!tpu.dma_semaphore, #tpu.memory_space<semaphore_mem>>)
          %dma_wait3A = arith.constant 9480 : i32
          %dma_wait3A_78 = arith.constant 0 : i32
          %dma_wait3A_79 = tpu.memref_slice %arg15[%dma_wait3A, %dma_wait3A_78] : memref<10112x128xbf16, #tpu.memory_space<vmem_shared>> -> memref<520x128xbf16, #tpu.memory_space<vmem_shared>>
          %dma_wait3A_80 = arith.constant 9480 : i32
          %dma_wait3A_81 = arith.constant 0 : i32
          %dma_wait3A_82 = tpu.memref_slice %arg2[%dma_wait3A_80, %dma_wait3A_81] : memref<10000x128xbf16, #tpu.memory_space<hbm>> -> memref<520x128xbf16, #tpu.memory_space<hbm>>
          tpu.wait_dma2 semaphore(%run_scoped3A : memref<!tpu.dma_semaphore, #tpu.memory_space<semaphore_mem>>) src(%dma_wait3A_82 : memref<520x128xbf16, #tpu.memory_space<hbm>>) dst(%dma_wait3A_79 : memref<520x128xbf16, #tpu.memory_space<vmem_shared>>)
          tpu.yield
        }) : () -> ()
      } else {
      }
      %mul3A = arith.constant 632 : i32
      %mul3A_16 = arith.muli %arg1, %mul3A : i32
      "tpu.region"() ({
        %run_scoped3A = tpu.sem_alloc : memref<!tpu.dma_semaphore, #tpu.memory_space<semaphore_mem>>
        %dma_start3A_72 = arith.constant 0 : i32
        %dma_start3A_73 = tpu.memref_slice %arg14[%mul3A_16, %dma_start3A_72] : memref<10112x128xbf16, #tpu.memory_space<vmem_shared>> -> memref<632x128xbf16, #tpu.memory_space<vmem_shared>>
        tpu.enqueue_dma source(%arg6 : memref<632x128xbf16, #tpu.memory_space<hbm>>) target(%dma_start3A_73 : memref<632x128xbf16, #tpu.memory_space<vmem_shared>>) target_semaphore(%run_scoped3A : memref<!tpu.dma_semaphore, #tpu.memory_space<semaphore_mem>>)
        %dma_wait3A = arith.constant 0 : i32
        %dma_wait3A_74 = tpu.memref_slice %arg14[%mul3A_16, %dma_wait3A] : memref<10112x128xbf16, #tpu.memory_space<vmem_shared>> -> memref<632x128xbf16, #tpu.memory_space<vmem_shared>>
        tpu.wait_dma2 semaphore(%run_scoped3A : memref<!tpu.dma_semaphore, #tpu.memory_space<semaphore_mem>>) src(%arg6 : memref<632x128xbf16, #tpu.memory_space<hbm>>) dst(%dma_wait3A_74 : memref<632x128xbf16, #tpu.memory_space<vmem_shared>>)
        tpu.yield
      }) : () -> ()
      %barrier3A = arith.constant 0 : index
      tpu.barrier barrier_id(%barrier3A)
      %dma_start3A = arith.constant 0 : i32
      %dma_start3A_17 = arith.constant 0 : i32
      %dma_start3A_18 = arith.constant 0 : i32
      %dma_start3A_19 = arith.constant 0 : i32
      %dma_start3A_20 = arith.constant 0 : i32
      %dma_start3A_21 = tpu.memref_slice %arg11[%dma_start3A_17, %dma_start3A_19, %dma_start3A_20] : memref<3x128x128xbf16, #tpu.memory_space<vmem>> -> memref<1x128x128xbf16, #tpu.memory_space<vmem>>
      %dma_start3A_22 = tpu.memref_squeeze %dma_start3A_21 : memref<1x128x128xbf16, #tpu.memory_space<vmem>> -> memref<128x128xbf16, #tpu.memory_space<vmem>>
      %dma_start3A_23 = arith.constant 0 : i32
      %dma_start3A_24 = tpu.memref_slice %arg9[%dma_start3A, %dma_start3A_23] : memref<81x128xi32, #tpu.memory_space<vmem>> -> memref<1x128xi32, #tpu.memory_space<vmem>>
      %dma_start3A_25 = tpu.memref_squeeze %dma_start3A_24 : memref<1x128xi32, #tpu.memory_space<vmem>> -> memref<128xi32, #tpu.memory_space<vmem>>
      %dma_start3A_26 = arith.constant 0 : i32
      %dma_start3A_27 = arith.constant 0 : i32
      %dma_start3A_28 = tpu.memref_slice %arg15[%dma_start3A_26, %dma_start3A_27] : memref<10112x128xbf16, #tpu.memory_space<vmem_shared>> -> memref<10112x128xbf16, #tpu.memory_space<vmem_shared>>
      %dma_start3A_29 = tpu.memref_slice %arg12[%dma_start3A_18] : memref<3x!tpu.dma_semaphore, #tpu.memory_space<semaphore_mem>> -> memref<1x!tpu.dma_semaphore, #tpu.memory_space<semaphore_mem>>
      %dma_start3A_30 = tpu.memref_squeeze %dma_start3A_29 : memref<1x!tpu.dma_semaphore, #tpu.memory_space<semaphore_mem>> -> memref<!tpu.dma_semaphore, #tpu.memory_space<semaphore_mem>>
      tpu.enqueue_indirect_dma source(%dma_start3A_28 : memref<10112x128xbf16, #tpu.memory_space<vmem_shared>>) target(%dma_start3A_22 : memref<128x128xbf16, #tpu.memory_space<vmem>>) offsets(%dma_start3A_25 : memref<128xi32, #tpu.memory_space<vmem>>) semaphore(%dma_start3A_30 : memref<!tpu.dma_semaphore, #tpu.memory_space<semaphore_mem>>)
      %dma_start3A_31 = arith.constant 1 : i32
      %dma_start3A_32 = arith.constant 1 : i32
      %dma_start3A_33 = arith.constant 1 : i32
      %dma_start3A_34 = arith.constant 0 : i32
      %dma_start3A_35 = arith.constant 0 : i32
      %dma_start3A_36 = tpu.memref_slice %arg11[%dma_start3A_32, %dma_start3A_34, %dma_start3A_35] : memref<3x128x128xbf16, #tpu.memory_space<vmem>> -> memref<1x128x128xbf16, #tpu.memory_space<vmem>>
      %dma_start3A_37 = tpu.memref_squeeze %dma_start3A_36 : memref<1x128x128xbf16, #tpu.memory_space<vmem>> -> memref<128x128xbf16, #tpu.memory_space<vmem>>
      %dma_start3A_38 = arith.constant 0 : i32
      %dma_start3A_39 = tpu.memref_slice %arg9[%dma_start3A_31, %dma_start3A_38] : memref<81x128xi32, #tpu.memory_space<vmem>> -> memref<1x128xi32, #tpu.memory_space<vmem>>
      %dma_start3A_40 = tpu.memref_squeeze %dma_start3A_39 : memref<1x128xi32, #tpu.memory_space<vmem>> -> memref<128xi32, #tpu.memory_space<vmem>>
      %dma_start3A_41 = arith.constant 0 : i32
      %dma_start3A_42 = arith.constant 0 : i32
      %dma_start3A_43 = tpu.memref_slice %arg15[%dma_start3A_41, %dma_start3A_42] : memref<10112x128xbf16, #tpu.memory_space<vmem_shared>> -> memref<10112x128xbf16, #tpu.memory_space<vmem_shared>>
      %dma_start3A_44 = tpu.memref_slice %arg12[%dma_start3A_33] : memref<3x!tpu.dma_semaphore, #tpu.memory_space<semaphore_mem>> -> memref<1x!tpu.dma_semaphore, #tpu.memory_space<semaphore_mem>>
      %dma_start3A_45 = tpu.memref_squeeze %dma_start3A_44 : memref<1x!tpu.dma_semaphore, #tpu.memory_space<semaphore_mem>> -> memref<!tpu.dma_semaphore, #tpu.memory_space<semaphore_mem>>
      tpu.enqueue_indirect_dma source(%dma_start3A_43 : memref<10112x128xbf16, #tpu.memory_space<vmem_shared>>) target(%dma_start3A_37 : memref<128x128xbf16, #tpu.memory_space<vmem>>) offsets(%dma_start3A_40 : memref<128xi32, #tpu.memory_space<vmem>>) semaphore(%dma_start3A_45 : memref<!tpu.dma_semaphore, #tpu.memory_space<semaphore_mem>>)
      %dma_start3A_46 = arith.constant 2 : i32
      %dma_start3A_47 = arith.constant 2 : i32
      %dma_start3A_48 = arith.constant 2 : i32
      %dma_start3A_49 = arith.constant 0 : i32
      %dma_start3A_50 = arith.constant 0 : i32
      %dma_start3A_51 = tpu.memref_slice %arg11[%dma_start3A_47, %dma_start3A_49, %dma_start3A_50] : memref<3x128x128xbf16, #tpu.memory_space<vmem>> -> memref<1x128x128xbf16, #tpu.memory_space<vmem>>
      %dma_start3A_52 = tpu.memref_squeeze %dma_start3A_51 : memref<1x128x128xbf16, #tpu.memory_space<vmem>> -> memref<128x128xbf16, #tpu.memory_space<vmem>>
      %dma_start3A_53 = arith.constant 0 : i32
      %dma_start3A_54 = tpu.memref_slice %arg9[%dma_start3A_46, %dma_start3A_53] : memref<81x128xi32, #tpu.memory_space<vmem>> -> memref<1x128xi32, #tpu.memory_space<vmem>>
      %dma_start3A_55 = tpu.memref_squeeze %dma_start3A_54 : memref<1x128xi32, #tpu.memory_space<vmem>> -> memref<128xi32, #tpu.memory_space<vmem>>
      %dma_start3A_56 = arith.constant 0 : i32
      %dma_start3A_57 = arith.constant 0 : i32
      %dma_start3A_58 = tpu.memref_slice %arg15[%dma_start3A_56, %dma_start3A_57] : memref<10112x128xbf16, #tpu.memory_space<vmem_shared>> -> memref<10112x128xbf16, #tpu.memory_space<vmem_shared>>
      %dma_start3A_59 = tpu.memref_slice %arg12[%dma_start3A_48] : memref<3x!tpu.dma_semaphore, #tpu.memory_space<semaphore_mem>> -> memref<1x!tpu.dma_semaphore, #tpu.memory_space<semaphore_mem>>
      %dma_start3A_60 = tpu.memref_squeeze %dma_start3A_59 : memref<1x!tpu.dma_semaphore, #tpu.memory_space<semaphore_mem>> -> memref<!tpu.dma_semaphore, #tpu.memory_space<semaphore_mem>>
      tpu.enqueue_indirect_dma source(%dma_start3A_58 : memref<10112x128xbf16, #tpu.memory_space<vmem_shared>>) target(%dma_start3A_52 : memref<128x128xbf16, #tpu.memory_space<vmem>>) offsets(%dma_start3A_55 : memref<128xi32, #tpu.memory_space<vmem>>) semaphore(%dma_start3A_60 : memref<!tpu.dma_semaphore, #tpu.memory_space<semaphore_mem>>)
      %scan3A = arith.constant 0 : i32
      %scan3A_61 = arith.constant 0 : i32
      %scan3A_62 = arith.constant 27 : i32
      %scan3A_63 = arith.addi %scan3A_61, %scan3A_62 : i32
      %scan3A_64 = arith.constant 1 : i32
      %scan3A_65 = scf.for %scan3A_72 = %scan3A_61 to %scan3A_63 step %scan3A_64 iter_args(%scan3A_73 = %scan3A) -> (i32)  : i32 {
        %mul3A_74 = arith.constant 3 : i32
        %mul3A_75 = arith.muli %scan3A_72, %mul3A_74 : i32
        %add3A = arith.constant 0 : i32
        %add3A_76 = arith.addi %mul3A_75, %add3A : i32
        %dma_wait3A = arith.constant 0 : i32
        %dma_wait3A_77 = arith.constant 0 : i32
        %dma_wait3A_78 = arith.constant 0 : i32
        %dma_wait3A_79 = arith.constant 0 : i32
        %dma_wait3A_80 = tpu.memref_slice %arg11[%dma_wait3A, %dma_wait3A_78, %dma_wait3A_79] : memref<3x128x128xbf16, #tpu.memory_space<vmem>> -> memref<1x128x128xbf16, #tpu.memory_space<vmem>>
        %dma_wait3A_81 = tpu.memref_squeeze %dma_wait3A_80 : memref<1x128x128xbf16, #tpu.memory_space<vmem>> -> memref<128x128xbf16, #tpu.memory_space<vmem>>
        %dma_wait3A_82 = arith.constant 0 : i32
        %dma_wait3A_83 = tpu.memref_slice %arg9[%add3A_76, %dma_wait3A_82] : memref<81x128xi32, #tpu.memory_space<vmem>> -> memref<1x128xi32, #tpu.memory_space<vmem>>
        %dma_wait3A_84 = tpu.memref_squeeze %dma_wait3A_83 : memref<1x128xi32, #tpu.memory_space<vmem>> -> memref<128xi32, #tpu.memory_space<vmem>>
        %dma_wait3A_85 = arith.constant 0 : i32
        %dma_wait3A_86 = arith.constant 0 : i32
        %dma_wait3A_87 = tpu.memref_slice %arg15[%dma_wait3A_85, %dma_wait3A_86] : memref<10112x128xbf16, #tpu.memory_space<vmem_shared>> -> memref<10112x128xbf16, #tpu.memory_space<vmem_shared>>
        %dma_wait3A_88 = tpu.memref_slice %arg12[%dma_wait3A_77] : memref<3x!tpu.dma_semaphore, #tpu.memory_space<semaphore_mem>> -> memref<1x!tpu.dma_semaphore, #tpu.memory_space<semaphore_mem>>
        %dma_wait3A_89 = tpu.memref_squeeze %dma_wait3A_88 : memref<1x!tpu.dma_semaphore, #tpu.memory_space<semaphore_mem>> -> memref<!tpu.dma_semaphore, #tpu.memory_space<semaphore_mem>>
        tpu.wait_indirect_dma semaphore(%dma_wait3A_89 : memref<!tpu.dma_semaphore, #tpu.memory_space<semaphore_mem>>) src(%dma_wait3A_87 : memref<10112x128xbf16, #tpu.memory_space<vmem_shared>>) dst(%dma_wait3A_81 : memref<128x128xbf16, #tpu.memory_space<vmem>>)
        %add3A_90 = arith.constant 0 : i32
        %add3A_91 = arith.addi %mul3A_75, %add3A_90 : i32
        %dma_start3A_92 = arith.constant 0 : i32
        %dma_start3A_93 = arith.constant 0 : i32
        %dma_start3A_94 = arith.constant 0 : i32
        %dma_start3A_95 = arith.constant 0 : i32
        %dma_start3A_96 = tpu.memref_slice %arg11[%dma_start3A_92, %dma_start3A_94, %dma_start3A_95] : memref<3x128x128xbf16, #tpu.memory_space<vmem>> -> memref<1x128x128xbf16, #tpu.memory_space<vmem>>
        %dma_start3A_97 = tpu.memref_squeeze %dma_start3A_96 : memref<1x128x128xbf16, #tpu.memory_space<vmem>> -> memref<128x128xbf16, #tpu.memory_space<vmem>>
        %dma_start3A_98 = arith.constant 0 : i32
        %dma_start3A_99 = tpu.memref_slice %arg10[%add3A_91, %dma_start3A_98] : memref<81x128xi32, #tpu.memory_space<vmem>> -> memref<1x128xi32, #tpu.memory_space<vmem>>
        %dma_start3A_100 = tpu.memref_squeeze %dma_start3A_99 : memref<1x128xi32, #tpu.memory_space<vmem>> -> memref<128xi32, #tpu.memory_space<vmem>>
        %dma_start3A_101 = arith.constant 0 : i32
        %dma_start3A_102 = arith.constant 0 : i32
        %dma_start3A_103 = tpu.memref_slice %arg14[%dma_start3A_101, %dma_start3A_102] : memref<10112x128xbf16, #tpu.memory_space<vmem_shared>> -> memref<10112x128xbf16, #tpu.memory_space<vmem_shared>>
        %dma_start3A_104 = tpu.memref_slice %arg13[%dma_start3A_93] : memref<3x!tpu.dma_semaphore, #tpu.memory_space<semaphore_mem>> -> memref<1x!tpu.dma_semaphore, #tpu.memory_space<semaphore_mem>>
        %dma_start3A_105 = tpu.memref_squeeze %dma_start3A_104 : memref<1x!tpu.dma_semaphore, #tpu.memory_space<semaphore_mem>> -> memref<!tpu.dma_semaphore, #tpu.memory_space<semaphore_mem>>
        tpu.enqueue_indirect_dma source(%dma_start3A_97 : memref<128x128xbf16, #tpu.memory_space<vmem>>) target(%dma_start3A_103 : memref<10112x128xbf16, #tpu.memory_space<vmem_shared>>) offsets(%dma_start3A_100 : memref<128xi32, #tpu.memory_space<vmem>>) semaphore(%dma_start3A_105 : memref<!tpu.dma_semaphore, #tpu.memory_space<semaphore_mem>>) {add = true}
        %add3A_106 = arith.constant 1 : i32
        %add3A_107 = arith.addi %mul3A_75, %add3A_106 : i32
        %dma_wait3A_108 = arith.constant 1 : i32
        %dma_wait3A_109 = arith.constant 1 : i32
        %dma_wait3A_110 = arith.constant 0 : i32
        %dma_wait3A_111 = arith.constant 0 : i32
        %dma_wait3A_112 = tpu.memref_slice %arg11[%dma_wait3A_108, %dma_wait3A_110, %dma_wait3A_111] : memref<3x128x128xbf16, #tpu.memory_space<vmem>> -> memref<1x128x128xbf16, #tpu.memory_space<vmem>>
        %dma_wait3A_113 = tpu.memref_squeeze %dma_wait3A_112 : memref<1x128x128xbf16, #tpu.memory_space<vmem>> -> memref<128x128xbf16, #tpu.memory_space<vmem>>
        %dma_wait3A_114 = arith.constant 0 : i32
        %dma_wait3A_115 = tpu.memref_slice %arg9[%add3A_107, %dma_wait3A_114] : memref<81x128xi32, #tpu.memory_space<vmem>> -> memref<1x128xi32, #tpu.memory_space<vmem>>
        %dma_wait3A_116 = tpu.memref_squeeze %dma_wait3A_115 : memref<1x128xi32, #tpu.memory_space<vmem>> -> memref<128xi32, #tpu.memory_space<vmem>>
        %dma_wait3A_117 = arith.constant 0 : i32
        %dma_wait3A_118 = arith.constant 0 : i32
        %dma_wait3A_119 = tpu.memref_slice %arg15[%dma_wait3A_117, %dma_wait3A_118] : memref<10112x128xbf16, #tpu.memory_space<vmem_shared>> -> memref<10112x128xbf16, #tpu.memory_space<vmem_shared>>
        %dma_wait3A_120 = tpu.memref_slice %arg12[%dma_wait3A_109] : memref<3x!tpu.dma_semaphore, #tpu.memory_space<semaphore_mem>> -> memref<1x!tpu.dma_semaphore, #tpu.memory_space<semaphore_mem>>
        %dma_wait3A_121 = tpu.memref_squeeze %dma_wait3A_120 : memref<1x!tpu.dma_semaphore, #tpu.memory_space<semaphore_mem>> -> memref<!tpu.dma_semaphore, #tpu.memory_space<semaphore_mem>>
        tpu.wait_indirect_dma semaphore(%dma_wait3A_121 : memref<!tpu.dma_semaphore, #tpu.memory_space<semaphore_mem>>) src(%dma_wait3A_119 : memref<10112x128xbf16, #tpu.memory_space<vmem_shared>>) dst(%dma_wait3A_113 : memref<128x128xbf16, #tpu.memory_space<vmem>>)
        %add3A_122 = arith.constant 1 : i32
        %add3A_123 = arith.addi %mul3A_75, %add3A_122 : i32
        %dma_start3A_124 = arith.constant 1 : i32
        %dma_start3A_125 = arith.constant 1 : i32
        %dma_start3A_126 = arith.constant 0 : i32
        %dma_start3A_127 = arith.constant 0 : i32
        %dma_start3A_128 = tpu.memref_slice %arg11[%dma_start3A_124, %dma_start3A_126, %dma_start3A_127] : memref<3x128x128xbf16, #tpu.memory_space<vmem>> -> memref<1x128x128xbf16, #tpu.memory_space<vmem>>
        %dma_start3A_129 = tpu.memref_squeeze %dma_start3A_128 : memref<1x128x128xbf16, #tpu.memory_space<vmem>> -> memref<128x128xbf16, #tpu.memory_space<vmem>>
        %dma_start3A_130 = arith.constant 0 : i32
        %dma_start3A_131 = tpu.memref_slice %arg10[%add3A_123, %dma_start3A_130] : memref<81x128xi32, #tpu.memory_space<vmem>> -> memref<1x128xi32, #tpu.memory_space<vmem>>
        %dma_start3A_132 = tpu.memref_squeeze %dma_start3A_131 : memref<1x128xi32, #tpu.memory_space<vmem>> -> memref<128xi32, #tpu.memory_space<vmem>>
        %dma_start3A_133 = arith.constant 0 : i32
        %dma_start3A_134 = arith.constant 0 : i32
        %dma_start3A_135 = tpu.memref_slice %arg14[%dma_start3A_133, %dma_start3A_134] : memref<10112x128xbf16, #tpu.memory_space<vmem_shared>> -> memref<10112x128xbf16, #tpu.memory_space<vmem_shared>>
        %dma_start3A_136 = tpu.memref_slice %arg13[%dma_start3A_125] : memref<3x!tpu.dma_semaphore, #tpu.memory_space<semaphore_mem>> -> memref<1x!tpu.dma_semaphore, #tpu.memory_space<semaphore_mem>>
        %dma_start3A_137 = tpu.memref_squeeze %dma_start3A_136 : memref<1x!tpu.dma_semaphore, #tpu.memory_space<semaphore_mem>> -> memref<!tpu.dma_semaphore, #tpu.memory_space<semaphore_mem>>
        tpu.enqueue_indirect_dma source(%dma_start3A_129 : memref<128x128xbf16, #tpu.memory_space<vmem>>) target(%dma_start3A_135 : memref<10112x128xbf16, #tpu.memory_space<vmem_shared>>) offsets(%dma_start3A_132 : memref<128xi32, #tpu.memory_space<vmem>>) semaphore(%dma_start3A_137 : memref<!tpu.dma_semaphore, #tpu.memory_space<semaphore_mem>>) {add = true}
        %add3A_138 = arith.constant 2 : i32
        %add3A_139 = arith.addi %mul3A_75, %add3A_138 : i32
        %dma_wait3A_140 = arith.constant 2 : i32
        %dma_wait3A_141 = arith.constant 2 : i32
        %dma_wait3A_142 = arith.constant 0 : i32
        %dma_wait3A_143 = arith.constant 0 : i32
        %dma_wait3A_144 = tpu.memref_slice %arg11[%dma_wait3A_140, %dma_wait3A_142, %dma_wait3A_143] : memref<3x128x128xbf16, #tpu.memory_space<vmem>> -> memref<1x128x128xbf16, #tpu.memory_space<vmem>>
        %dma_wait3A_145 = tpu.memref_squeeze %dma_wait3A_144 : memref<1x128x128xbf16, #tpu.memory_space<vmem>> -> memref<128x128xbf16, #tpu.memory_space<vmem>>
        %dma_wait3A_146 = arith.constant 0 : i32
        %dma_wait3A_147 = tpu.memref_slice %arg9[%add3A_139, %dma_wait3A_146] : memref<81x128xi32, #tpu.memory_space<vmem>> -> memref<1x128xi32, #tpu.memory_space<vmem>>
        %dma_wait3A_148 = tpu.memref_squeeze %dma_wait3A_147 : memref<1x128xi32, #tpu.memory_space<vmem>> -> memref<128xi32, #tpu.memory_space<vmem>>
        %dma_wait3A_149 = arith.constant 0 : i32
        %dma_wait3A_150 = arith.constant 0 : i32
        %dma_wait3A_151 = tpu.memref_slice %arg15[%dma_wait3A_149, %dma_wait3A_150] : memref<10112x128xbf16, #tpu.memory_space<vmem_shared>> -> memref<10112x128xbf16, #tpu.memory_space<vmem_shared>>
        %dma_wait3A_152 = tpu.memref_slice %arg12[%dma_wait3A_141] : memref<3x!tpu.dma_semaphore, #tpu.memory_space<semaphore_mem>> -> memref<1x!tpu.dma_semaphore, #tpu.memory_space<semaphore_mem>>
        %dma_wait3A_153 = tpu.memref_squeeze %dma_wait3A_152 : memref<1x!tpu.dma_semaphore, #tpu.memory_space<semaphore_mem>> -> memref<!tpu.dma_semaphore, #tpu.memory_space<semaphore_mem>>
        tpu.wait_indirect_dma semaphore(%dma_wait3A_153 : memref<!tpu.dma_semaphore, #tpu.memory_space<semaphore_mem>>) src(%dma_wait3A_151 : memref<10112x128xbf16, #tpu.memory_space<vmem_shared>>) dst(%dma_wait3A_145 : memref<128x128xbf16, #tpu.memory_space<vmem>>)
        %add3A_154 = arith.constant 2 : i32
        %add3A_155 = arith.addi %mul3A_75, %add3A_154 : i32
        %dma_start3A_156 = arith.constant 2 : i32
        %dma_start3A_157 = arith.constant 2 : i32
        %dma_start3A_158 = arith.constant 0 : i32
        %dma_start3A_159 = arith.constant 0 : i32
        %dma_start3A_160 = tpu.memref_slice %arg11[%dma_start3A_156, %dma_start3A_158, %dma_start3A_159] : memref<3x128x128xbf16, #tpu.memory_space<vmem>> -> memref<1x128x128xbf16, #tpu.memory_space<vmem>>
        %dma_start3A_161 = tpu.memref_squeeze %dma_start3A_160 : memref<1x128x128xbf16, #tpu.memory_space<vmem>> -> memref<128x128xbf16, #tpu.memory_space<vmem>>
        %dma_start3A_162 = arith.constant 0 : i32
        %dma_start3A_163 = tpu.memref_slice %arg10[%add3A_155, %dma_start3A_162] : memref<81x128xi32, #tpu.memory_space<vmem>> -> memref<1x128xi32, #tpu.memory_space<vmem>>
        %dma_start3A_164 = tpu.memref_squeeze %dma_start3A_163 : memref<1x128xi32, #tpu.memory_space<vmem>> -> memref<128xi32, #tpu.memory_space<vmem>>
        %dma_start3A_165 = arith.constant 0 : i32
        %dma_start3A_166 = arith.constant 0 : i32
        %dma_start3A_167 = tpu.memref_slice %arg14[%dma_start3A_165, %dma_start3A_166] : memref<10112x128xbf16, #tpu.memory_space<vmem_shared>> -> memref<10112x128xbf16, #tpu.memory_space<vmem_shared>>
        %dma_start3A_168 = tpu.memref_slice %arg13[%dma_start3A_157] : memref<3x!tpu.dma_semaphore, #tpu.memory_space<semaphore_mem>> -> memref<1x!tpu.dma_semaphore, #tpu.memory_space<semaphore_mem>>
        %dma_start3A_169 = tpu.memref_squeeze %dma_start3A_168 : memref<1x!tpu.dma_semaphore, #tpu.memory_space<semaphore_mem>> -> memref<!tpu.dma_semaphore, #tpu.memory_space<semaphore_mem>>
        tpu.enqueue_indirect_dma source(%dma_start3A_161 : memref<128x128xbf16, #tpu.memory_space<vmem>>) target(%dma_start3A_167 : memref<10112x128xbf16, #tpu.memory_space<vmem_shared>>) offsets(%dma_start3A_164 : memref<128xi32, #tpu.memory_space<vmem>>) semaphore(%dma_start3A_169 : memref<!tpu.dma_semaphore, #tpu.memory_space<semaphore_mem>>) {add = true}
        %add3A_170 = arith.constant 0 : i32
        %add3A_171 = arith.addi %mul3A_75, %add3A_170 : i32
        %dma_wait3A_172 = arith.constant 0 : i32
        %dma_wait3A_173 = arith.constant 0 : i32
        %dma_wait3A_174 = arith.constant 0 : i32
        %dma_wait3A_175 = arith.constant 0 : i32
        %dma_wait3A_176 = tpu.memref_slice %arg11[%dma_wait3A_172, %dma_wait3A_174, %dma_wait3A_175] : memref<3x128x128xbf16, #tpu.memory_space<vmem>> -> memref<1x128x128xbf16, #tpu.memory_space<vmem>>
        %dma_wait3A_177 = tpu.memref_squeeze %dma_wait3A_176 : memref<1x128x128xbf16, #tpu.memory_space<vmem>> -> memref<128x128xbf16, #tpu.memory_space<vmem>>
        %dma_wait3A_178 = arith.constant 0 : i32
        %dma_wait3A_179 = tpu.memref_slice %arg10[%add3A_171, %dma_wait3A_178] : memref<81x128xi32, #tpu.memory_space<vmem>> -> memref<1x128xi32, #tpu.memory_space<vmem>>
        %dma_wait3A_180 = tpu.memref_squeeze %dma_wait3A_179 : memref<1x128xi32, #tpu.memory_space<vmem>> -> memref<128xi32, #tpu.memory_space<vmem>>
        %dma_wait3A_181 = arith.constant 0 : i32
        %dma_wait3A_182 = arith.constant 0 : i32
        %dma_wait3A_183 = tpu.memref_slice %arg14[%dma_wait3A_181, %dma_wait3A_182] : memref<10112x128xbf16, #tpu.memory_space<vmem_shared>> -> memref<10112x128xbf16, #tpu.memory_space<vmem_shared>>
        %dma_wait3A_184 = tpu.memref_slice %arg13[%dma_wait3A_173] : memref<3x!tpu.dma_semaphore, #tpu.memory_space<semaphore_mem>> -> memref<1x!tpu.dma_semaphore, #tpu.memory_space<semaphore_mem>>
        %dma_wait3A_185 = tpu.memref_squeeze %dma_wait3A_184 : memref<1x!tpu.dma_semaphore, #tpu.memory_space<semaphore_mem>> -> memref<!tpu.dma_semaphore, #tpu.memory_space<semaphore_mem>>
        tpu.wait_indirect_dma semaphore(%dma_wait3A_185 : memref<!tpu.dma_semaphore, #tpu.memory_space<semaphore_mem>>) src(%dma_wait3A_177 : memref<128x128xbf16, #tpu.memory_space<vmem>>) dst(%dma_wait3A_183 : memref<10112x128xbf16, #tpu.memory_space<vmem_shared>>)
        %add3A_186 = arith.constant 0 : i32
        %add3A_187 = arith.addi %mul3A_75, %add3A_186 : i32
        %add3A_188 = arith.constant 3 : i32
        %add3A_189 = arith.addi %add3A_187, %add3A_188 : i32
        %lt3A_190 = arith.constant 81 : i32
        %lt3A_191 = arith.cmpi slt, %add3A_189, %lt3A_190 : i32
        %convert_element_type3A_192 = arith.extui %lt3A_191 : i1 to i32
        %cond3A_193 = arith.constant 0 : i32
        %cond3A_194 = arith.cmpi ne, %convert_element_type3A_192, %cond3A_193 : i32
        scf.if %cond3A_194 {
          %dma_start3A_246 = arith.constant 0 : i32
          %dma_start3A_247 = arith.constant 0 : i32
          %dma_start3A_248 = arith.constant 0 : i32
          %dma_start3A_249 = arith.constant 0 : i32
          %dma_start3A_250 = tpu.memref_slice %arg11[%dma_start3A_246, %dma_start3A_248, %dma_start3A_249] : memref<3x128x128xbf16, #tpu.memory_space<vmem>> -> memref<1x128x128xbf16, #tpu.memory_space<vmem>>
          %dma_start3A_251 = tpu.memref_squeeze %dma_start3A_250 : memref<1x128x128xbf16, #tpu.memory_space<vmem>> -> memref<128x128xbf16, #tpu.memory_space<vmem>>
          %dma_start3A_252 = arith.constant 0 : i32
          %dma_start3A_253 = tpu.memref_slice %arg9[%add3A_189, %dma_start3A_252] : memref<81x128xi32, #tpu.memory_space<vmem>> -> memref<1x128xi32, #tpu.memory_space<vmem>>
          %dma_start3A_254 = tpu.memref_squeeze %dma_start3A_253 : memref<1x128xi32, #tpu.memory_space<vmem>> -> memref<128xi32, #tpu.memory_space<vmem>>
          %dma_start3A_255 = arith.constant 0 : i32
          %dma_start3A_256 = arith.constant 0 : i32
          %dma_start3A_257 = tpu.memref_slice %arg15[%dma_start3A_255, %dma_start3A_256] : memref<10112x128xbf16, #tpu.memory_space<vmem_shared>> -> memref<10112x128xbf16, #tpu.memory_space<vmem_shared>>
          %dma_start3A_258 = tpu.memref_slice %arg12[%dma_start3A_247] : memref<3x!tpu.dma_semaphore, #tpu.memory_space<semaphore_mem>> -> memref<1x!tpu.dma_semaphore, #tpu.memory_space<semaphore_mem>>
          %dma_start3A_259 = tpu.memref_squeeze %dma_start3A_258 : memref<1x!tpu.dma_semaphore, #tpu.memory_space<semaphore_mem>> -> memref<!tpu.dma_semaphore, #tpu.memory_space<semaphore_mem>>
          tpu.enqueue_indirect_dma source(%dma_start3A_257 : memref<10112x128xbf16, #tpu.memory_space<vmem_shared>>) target(%dma_start3A_251 : memref<128x128xbf16, #tpu.memory_space<vmem>>) offsets(%dma_start3A_254 : memref<128xi32, #tpu.memory_space<vmem>>) semaphore(%dma_start3A_259 : memref<!tpu.dma_semaphore, #tpu.memory_space<semaphore_mem>>)
        } else {
        }
        %add3A_195 = arith.constant 1 : i32
        %add3A_196 = arith.addi %mul3A_75, %add3A_195 : i32
        %dma_wait3A_197 = arith.constant 1 : i32
        %dma_wait3A_198 = arith.constant 1 : i32
        %dma_wait3A_199 = arith.constant 0 : i32
        %dma_wait3A_200 = arith.constant 0 : i32
        %dma_wait3A_201 = tpu.memref_slice %arg11[%dma_wait3A_197, %dma_wait3A_199, %dma_wait3A_200] : memref<3x128x128xbf16, #tpu.memory_space<vmem>> -> memref<1x128x128xbf16, #tpu.memory_space<vmem>>
        %dma_wait3A_202 = tpu.memref_squeeze %dma_wait3A_201 : memref<1x128x128xbf16, #tpu.memory_space<vmem>> -> memref<128x128xbf16, #tpu.memory_space<vmem>>
        %dma_wait3A_203 = arith.constant 0 : i32
        %dma_wait3A_204 = tpu.memref_slice %arg10[%add3A_196, %dma_wait3A_203] : memref<81x128xi32, #tpu.memory_space<vmem>> -> memref<1x128xi32, #tpu.memory_space<vmem>>
        %dma_wait3A_205 = tpu.memref_squeeze %dma_wait3A_204 : memref<1x128xi32, #tpu.memory_space<vmem>> -> memref<128xi32, #tpu.memory_space<vmem>>
        %dma_wait3A_206 = arith.constant 0 : i32
        %dma_wait3A_207 = arith.constant 0 : i32
        %dma_wait3A_208 = tpu.memref_slice %arg14[%dma_wait3A_206, %dma_wait3A_207] : memref<10112x128xbf16, #tpu.memory_space<vmem_shared>> -> memref<10112x128xbf16, #tpu.memory_space<vmem_shared>>
        %dma_wait3A_209 = tpu.memref_slice %arg13[%dma_wait3A_198] : memref<3x!tpu.dma_semaphore, #tpu.memory_space<semaphore_mem>> -> memref<1x!tpu.dma_semaphore, #tpu.memory_space<semaphore_mem>>
        %dma_wait3A_210 = tpu.memref_squeeze %dma_wait3A_209 : memref<1x!tpu.dma_semaphore, #tpu.memory_space<semaphore_mem>> -> memref<!tpu.dma_semaphore, #tpu.memory_space<semaphore_mem>>
        tpu.wait_indirect_dma semaphore(%dma_wait3A_210 : memref<!tpu.dma_semaphore, #tpu.memory_space<semaphore_mem>>) src(%dma_wait3A_202 : memref<128x128xbf16, #tpu.memory_space<vmem>>) dst(%dma_wait3A_208 : memref<10112x128xbf16, #tpu.memory_space<vmem_shared>>)
        %add3A_211 = arith.constant 1 : i32
        %add3A_212 = arith.addi %mul3A_75, %add3A_211 : i32
        %add3A_213 = arith.constant 3 : i32
        %add3A_214 = arith.addi %add3A_212, %add3A_213 : i32
        %lt3A_215 = arith.constant 81 : i32
        %lt3A_216 = arith.cmpi slt, %add3A_214, %lt3A_215 : i32
        %convert_element_type3A_217 = arith.extui %lt3A_216 : i1 to i32
        %cond3A_218 = arith.constant 0 : i32
        %cond3A_219 = arith.cmpi ne, %convert_element_type3A_217, %cond3A_218 : i32
        scf.if %cond3A_219 {
          %dma_start3A_246 = arith.constant 1 : i32
          %dma_start3A_247 = arith.constant 1 : i32
          %dma_start3A_248 = arith.constant 0 : i32
          %dma_start3A_249 = arith.constant 0 : i32
          %dma_start3A_250 = tpu.memref_slice %arg11[%dma_start3A_246, %dma_start3A_248, %dma_start3A_249] : memref<3x128x128xbf16, #tpu.memory_space<vmem>> -> memref<1x128x128xbf16, #tpu.memory_space<vmem>>
          %dma_start3A_251 = tpu.memref_squeeze %dma_start3A_250 : memref<1x128x128xbf16, #tpu.memory_space<vmem>> -> memref<128x128xbf16, #tpu.memory_space<vmem>>
          %dma_start3A_252 = arith.constant 0 : i32
          %dma_start3A_253 = tpu.memref_slice %arg9[%add3A_214, %dma_start3A_252] : memref<81x128xi32, #tpu.memory_space<vmem>> -> memref<1x128xi32, #tpu.memory_space<vmem>>
          %dma_start3A_254 = tpu.memref_squeeze %dma_start3A_253 : memref<1x128xi32, #tpu.memory_space<vmem>> -> memref<128xi32, #tpu.memory_space<vmem>>
          %dma_start3A_255 = arith.constant 0 : i32
          %dma_start3A_256 = arith.constant 0 : i32
          %dma_start3A_257 = tpu.memref_slice %arg15[%dma_start3A_255, %dma_start3A_256] : memref<10112x128xbf16, #tpu.memory_space<vmem_shared>> -> memref<10112x128xbf16, #tpu.memory_space<vmem_shared>>
          %dma_start3A_258 = tpu.memref_slice %arg12[%dma_start3A_247] : memref<3x!tpu.dma_semaphore, #tpu.memory_space<semaphore_mem>> -> memref<1x!tpu.dma_semaphore, #tpu.memory_space<semaphore_mem>>
          %dma_start3A_259 = tpu.memref_squeeze %dma_start3A_258 : memref<1x!tpu.dma_semaphore, #tpu.memory_space<semaphore_mem>> -> memref<!tpu.dma_semaphore, #tpu.memory_space<semaphore_mem>>
          tpu.enqueue_indirect_dma source(%dma_start3A_257 : memref<10112x128xbf16, #tpu.memory_space<vmem_shared>>) target(%dma_start3A_251 : memref<128x128xbf16, #tpu.memory_space<vmem>>) offsets(%dma_start3A_254 : memref<128xi32, #tpu.memory_space<vmem>>) semaphore(%dma_start3A_259 : memref<!tpu.dma_semaphore, #tpu.memory_space<semaphore_mem>>)
        } else {
        }
        %add3A_220 = arith.constant 2 : i32
        %add3A_221 = arith.addi %mul3A_75, %add3A_220 : i32
        %dma_wait3A_222 = arith.constant 2 : i32
        %dma_wait3A_223 = arith.constant 2 : i32
        %dma_wait3A_224 = arith.constant 0 : i32
        %dma_wait3A_225 = arith.constant 0 : i32
        %dma_wait3A_226 = tpu.memref_slice %arg11[%dma_wait3A_222, %dma_wait3A_224, %dma_wait3A_225] : memref<3x128x128xbf16, #tpu.memory_space<vmem>> -> memref<1x128x128xbf16, #tpu.memory_space<vmem>>
        %dma_wait3A_227 = tpu.memref_squeeze %dma_wait3A_226 : memref<1x128x128xbf16, #tpu.memory_space<vmem>> -> memref<128x128xbf16, #tpu.memory_space<vmem>>
        %dma_wait3A_228 = arith.constant 0 : i32
        %dma_wait3A_229 = tpu.memref_slice %arg10[%add3A_221, %dma_wait3A_228] : memref<81x128xi32, #tpu.memory_space<vmem>> -> memref<1x128xi32, #tpu.memory_space<vmem>>
        %dma_wait3A_230 = tpu.memref_squeeze %dma_wait3A_229 : memref<1x128xi32, #tpu.memory_space<vmem>> -> memref<128xi32, #tpu.memory_space<vmem>>
        %dma_wait3A_231 = arith.constant 0 : i32
        %dma_wait3A_232 = arith.constant 0 : i32
        %dma_wait3A_233 = tpu.memref_slice %arg14[%dma_wait3A_231, %dma_wait3A_232] : memref<10112x128xbf16, #tpu.memory_space<vmem_shared>> -> memref<10112x128xbf16, #tpu.memory_space<vmem_shared>>
        %dma_wait3A_234 = tpu.memref_slice %arg13[%dma_wait3A_223] : memref<3x!tpu.dma_semaphore, #tpu.memory_space<semaphore_mem>> -> memref<1x!tpu.dma_semaphore, #tpu.memory_space<semaphore_mem>>
        %dma_wait3A_235 = tpu.memref_squeeze %dma_wait3A_234 : memref<1x!tpu.dma_semaphore, #tpu.memory_space<semaphore_mem>> -> memref<!tpu.dma_semaphore, #tpu.memory_space<semaphore_mem>>
        tpu.wait_indirect_dma semaphore(%dma_wait3A_235 : memref<!tpu.dma_semaphore, #tpu.memory_space<semaphore_mem>>) src(%dma_wait3A_227 : memref<128x128xbf16, #tpu.memory_space<vmem>>) dst(%dma_wait3A_233 : memref<10112x128xbf16, #tpu.memory_space<vmem_shared>>)
        %add3A_236 = arith.constant 2 : i32
        %add3A_237 = arith.addi %mul3A_75, %add3A_236 : i32
        %add3A_238 = arith.constant 3 : i32
        %add3A_239 = arith.addi %add3A_237, %add3A_238 : i32
        %lt3A_240 = arith.constant 81 : i32
        %lt3A_241 = arith.cmpi slt, %add3A_239, %lt3A_240 : i32
        %convert_element_type3A_242 = arith.extui %lt3A_241 : i1 to i32
        %cond3A_243 = arith.constant 0 : i32
        %cond3A_244 = arith.cmpi ne, %convert_element_type3A_242, %cond3A_243 : i32
        scf.if %cond3A_244 {
          %dma_start3A_246 = arith.constant 2 : i32
          %dma_start3A_247 = arith.constant 2 : i32
          %dma_start3A_248 = arith.constant 0 : i32
          %dma_start3A_249 = arith.constant 0 : i32
          %dma_start3A_250 = tpu.memref_slice %arg11[%dma_start3A_246, %dma_start3A_248, %dma_start3A_249] : memref<3x128x128xbf16, #tpu.memory_space<vmem>> -> memref<1x128x128xbf16, #tpu.memory_space<vmem>>
          %dma_start3A_251 = tpu.memref_squeeze %dma_start3A_250 : memref<1x128x128xbf16, #tpu.memory_space<vmem>> -> memref<128x128xbf16, #tpu.memory_space<vmem>>
          %dma_start3A_252 = arith.constant 0 : i32
          %dma_start3A_253 = tpu.memref_slice %arg9[%add3A_239, %dma_start3A_252] : memref<81x128xi32, #tpu.memory_space<vmem>> -> memref<1x128xi32, #tpu.memory_space<vmem>>
          %dma_start3A_254 = tpu.memref_squeeze %dma_start3A_253 : memref<1x128xi32, #tpu.memory_space<vmem>> -> memref<128xi32, #tpu.memory_space<vmem>>
          %dma_start3A_255 = arith.constant 0 : i32
          %dma_start3A_256 = arith.constant 0 : i32
          %dma_start3A_257 = tpu.memref_slice %arg15[%dma_start3A_255, %dma_start3A_256] : memref<10112x128xbf16, #tpu.memory_space<vmem_shared>> -> memref<10112x128xbf16, #tpu.memory_space<vmem_shared>>
          %dma_start3A_258 = tpu.memref_slice %arg12[%dma_start3A_247] : memref<3x!tpu.dma_semaphore, #tpu.memory_space<semaphore_mem>> -> memref<1x!tpu.dma_semaphore, #tpu.memory_space<semaphore_mem>>
          %dma_start3A_259 = tpu.memref_squeeze %dma_start3A_258 : memref<1x!tpu.dma_semaphore, #tpu.memory_space<semaphore_mem>> -> memref<!tpu.dma_semaphore, #tpu.memory_space<semaphore_mem>>
          tpu.enqueue_indirect_dma source(%dma_start3A_257 : memref<10112x128xbf16, #tpu.memory_space<vmem_shared>>) target(%dma_start3A_251 : memref<128x128xbf16, #tpu.memory_space<vmem>>) offsets(%dma_start3A_254 : memref<128xi32, #tpu.memory_space<vmem>>) semaphore(%dma_start3A_259 : memref<!tpu.dma_semaphore, #tpu.memory_space<semaphore_mem>>)
        } else {
        }
        %scan3A_245 = arith.constant 0 : i32
        scf.yield %scan3A_245 : i32
      }
      %scan3A_66 = arith.constant 27 : i32
      %barrier3A_67 = arith.constant 0 : index
      tpu.barrier barrier_id(%barrier3A_67)
      %mul3A_68 = arith.constant 632 : i32
      %mul3A_69 = arith.muli %arg1, %mul3A_68 : i32
      %mul3A_70 = arith.constant 632 : i32
      %mul3A_71 = arith.muli %arg1, %mul3A_70 : i32
      "tpu.region"() ({
        %run_scoped3A = tpu.sem_alloc : memref<!tpu.dma_semaphore, #tpu.memory_space<semaphore_mem>>
        %dma_start3A_72 = arith.constant 0 : i32
        %dma_start3A_73 = tpu.memref_slice %arg7[%mul3A_71, %dma_start3A_72] : memref<10112x128xbf16, #tpu.memory_space<hbm>> -> memref<632x128xbf16, #tpu.memory_space<hbm>>
        %dma_start3A_74 = arith.constant 0 : i32
        %dma_start3A_75 = tpu.memref_slice %arg14[%mul3A_69, %dma_start3A_74] : memref<10112x128xbf16, #tpu.memory_space<vmem_shared>> -> memref<632x128xbf16, #tpu.memory_space<vmem_shared>>
        tpu.enqueue_dma source(%dma_start3A_75 : memref<632x128xbf16, #tpu.memory_space<vmem_shared>>) target(%dma_start3A_73 : memref<632x128xbf16, #tpu.memory_space<hbm>>) target_semaphore(%run_scoped3A : memref<!tpu.dma_semaphore, #tpu.memory_space<semaphore_mem>>)
        %dma_wait3A = arith.constant 0 : i32
        %dma_wait3A_76 = tpu.memref_slice %arg7[%mul3A_71, %dma_wait3A] : memref<10112x128xbf16, #tpu.memory_space<hbm>> -> memref<632x128xbf16, #tpu.memory_space<hbm>>
        %dma_wait3A_77 = arith.constant 0 : i32
        %dma_wait3A_78 = tpu.memref_slice %arg14[%mul3A_69, %dma_wait3A_77] : memref<10112x128xbf16, #tpu.memory_space<vmem_shared>> -> memref<632x128xbf16, #tpu.memory_space<vmem_shared>>
        tpu.wait_dma2 semaphore(%run_scoped3A : memref<!tpu.dma_semaphore, #tpu.memory_space<semaphore_mem>>) src(%dma_wait3A_78 : memref<632x128xbf16, #tpu.memory_space<vmem_shared>>) dst(%dma_wait3A_76 : memref<632x128xbf16, #tpu.memory_space<hbm>>)
        tpu.yield
      }) : () -> ()
    } else {
    }
    %eq3A_2 = arith.constant 1 : i32
    %eq3A_3 = arith.cmpi eq, %arg0, %eq3A_2 : i32
    %convert_element_type3A_4 = arith.extui %eq3A_3 : i1 to i32
    %cond3A_5 = arith.constant 0 : i32
    %cond3A_6 = arith.cmpi ne, %convert_element_type3A_4, %cond3A_5 : i32
    scf.if %cond3A_6 {
      %lt3A = arith.constant 15 : i32
      %lt3A_7 = arith.cmpi slt, %arg1, %lt3A : i32
      %convert_element_type3A_8 = arith.extui %lt3A_7 : i1 to i32
      %cond3A_9 = arith.constant 0 : i32
      %cond3A_10 = arith.cmpi ne, %convert_element_type3A_8, %cond3A_9 : i32
      scf.if %cond3A_10 {
        %mul3A_72 = arith.constant 632 : i32
        %mul3A_73 = arith.muli %arg1, %mul3A_72 : i32
        %mul3A_74 = arith.constant 632 : i32
        %mul3A_75 = arith.muli %arg1, %mul3A_74 : i32
        "tpu.region"() ({
          %run_scoped3A = tpu.sem_alloc : memref<!tpu.dma_semaphore, #tpu.memory_space<semaphore_mem>>
          %dma_start3A_76 = arith.constant 0 : i32
          %dma_start3A_77 = tpu.memref_slice %arg15[%mul3A_75, %dma_start3A_76] : memref<10112x128xbf16, #tpu.memory_space<vmem_shared>> -> memref<632x128xbf16, #tpu.memory_space<vmem_shared>>
          %dma_start3A_78 = arith.constant 0 : i32
          %dma_start3A_79 = tpu.memref_slice %arg3[%mul3A_73, %dma_start3A_78] : memref<10000x128xbf16, #tpu.memory_space<hbm>> -> memref<632x128xbf16, #tpu.memory_space<hbm>>
          tpu.enqueue_dma source(%dma_start3A_79 : memref<632x128xbf16, #tpu.memory_space<hbm>>) target(%dma_start3A_77 : memref<632x128xbf16, #tpu.memory_space<vmem_shared>>) target_semaphore(%run_scoped3A : memref<!tpu.dma_semaphore, #tpu.memory_space<semaphore_mem>>)
          %dma_wait3A = arith.constant 0 : i32
          %dma_wait3A_80 = tpu.memref_slice %arg15[%mul3A_75, %dma_wait3A] : memref<10112x128xbf16, #tpu.memory_space<vmem_shared>> -> memref<632x128xbf16, #tpu.memory_space<vmem_shared>>
          %dma_wait3A_81 = arith.constant 0 : i32
          %dma_wait3A_82 = tpu.memref_slice %arg3[%mul3A_73, %dma_wait3A_81] : memref<10000x128xbf16, #tpu.memory_space<hbm>> -> memref<632x128xbf16, #tpu.memory_space<hbm>>
          tpu.wait_dma2 semaphore(%run_scoped3A : memref<!tpu.dma_semaphore, #tpu.memory_space<semaphore_mem>>) src(%dma_wait3A_82 : memref<632x128xbf16, #tpu.memory_space<hbm>>) dst(%dma_wait3A_80 : memref<632x128xbf16, #tpu.memory_space<vmem_shared>>)
          tpu.yield
        }) : () -> ()
      } else {
      }
      %eq3A_11 = arith.constant 15 : i32
      %eq3A_12 = arith.cmpi eq, %arg1, %eq3A_11 : i32
      %convert_element_type3A_13 = arith.extui %eq3A_12 : i1 to i32
      %cond3A_14 = arith.constant 0 : i32
      %cond3A_15 = arith.cmpi ne, %convert_element_type3A_13, %cond3A_14 : i32
      scf.if %cond3A_15 {
        "tpu.region"() ({
          %run_scoped3A = tpu.sem_alloc : memref<!tpu.dma_semaphore, #tpu.memory_space<semaphore_mem>>
          %dma_start3A_72 = arith.constant 9480 : i32
          %dma_start3A_73 = arith.constant 0 : i32
          %dma_start3A_74 = tpu.memref_slice %arg15[%dma_start3A_72, %dma_start3A_73] : memref<10112x128xbf16, #tpu.memory_space<vmem_shared>> -> memref<520x128xbf16, #tpu.memory_space<vmem_shared>>
          %dma_start3A_75 = arith.constant 9480 : i32
          %dma_start3A_76 = arith.constant 0 : i32
          %dma_start3A_77 = tpu.memref_slice %arg3[%dma_start3A_75, %dma_start3A_76] : memref<10000x128xbf16, #tpu.memory_space<hbm>> -> memref<520x128xbf16, #tpu.memory_space<hbm>>
          tpu.enqueue_dma source(%dma_start3A_77 : memref<520x128xbf16, #tpu.memory_space<hbm>>) target(%dma_start3A_74 : memref<520x128xbf16, #tpu.memory_space<vmem_shared>>) target_semaphore(%run_scoped3A : memref<!tpu.dma_semaphore, #tpu.memory_space<semaphore_mem>>)
          %dma_wait3A = arith.constant 9480 : i32
          %dma_wait3A_78 = arith.constant 0 : i32
          %dma_wait3A_79 = tpu.memref_slice %arg15[%dma_wait3A, %dma_wait3A_78] : memref<10112x128xbf16, #tpu.memory_space<vmem_shared>> -> memref<520x128xbf16, #tpu.memory_space<vmem_shared>>
          %dma_wait3A_80 = arith.constant 9480 : i32
          %dma_wait3A_81 = arith.constant 0 : i32
          %dma_wait3A_82 = tpu.memref_slice %arg3[%dma_wait3A_80, %dma_wait3A_81] : memref<10000x128xbf16, #tpu.memory_space<hbm>> -> memref<520x128xbf16, #tpu.memory_space<hbm>>
          tpu.wait_dma2 semaphore(%run_scoped3A : memref<!tpu.dma_semaphore, #tpu.memory_space<semaphore_mem>>) src(%dma_wait3A_82 : memref<520x128xbf16, #tpu.memory_space<hbm>>) dst(%dma_wait3A_79 : memref<520x128xbf16, #tpu.memory_space<vmem_shared>>)
          tpu.yield
        }) : () -> ()
      } else {
      }
      %mul3A = arith.constant 632 : i32
      %mul3A_16 = arith.muli %arg1, %mul3A : i32
      "tpu.region"() ({
        %run_scoped3A = tpu.sem_alloc : memref<!tpu.dma_semaphore, #tpu.memory_space<semaphore_mem>>
        %dma_start3A_72 = arith.constant 0 : i32
        %dma_start3A_73 = tpu.memref_slice %arg14[%mul3A_16, %dma_start3A_72] : memref<10112x128xbf16, #tpu.memory_space<vmem_shared>> -> memref<632x128xbf16, #tpu.memory_space<vmem_shared>>
        tpu.enqueue_dma source(%arg6 : memref<632x128xbf16, #tpu.memory_space<hbm>>) target(%dma_start3A_73 : memref<632x128xbf16, #tpu.memory_space<vmem_shared>>) target_semaphore(%run_scoped3A : memref<!tpu.dma_semaphore, #tpu.memory_space<semaphore_mem>>)
        %dma_wait3A = arith.constant 0 : i32
        %dma_wait3A_74 = tpu.memref_slice %arg14[%mul3A_16, %dma_wait3A] : memref<10112x128xbf16, #tpu.memory_space<vmem_shared>> -> memref<632x128xbf16, #tpu.memory_space<vmem_shared>>
        tpu.wait_dma2 semaphore(%run_scoped3A : memref<!tpu.dma_semaphore, #tpu.memory_space<semaphore_mem>>) src(%arg6 : memref<632x128xbf16, #tpu.memory_space<hbm>>) dst(%dma_wait3A_74 : memref<632x128xbf16, #tpu.memory_space<vmem_shared>>)
        tpu.yield
      }) : () -> ()
      %barrier3A = arith.constant 0 : index
      tpu.barrier barrier_id(%barrier3A)
      %dma_start3A = arith.constant 0 : i32
      %dma_start3A_17 = arith.constant 0 : i32
      %dma_start3A_18 = arith.constant 0 : i32
      %dma_start3A_19 = arith.constant 0 : i32
      %dma_start3A_20 = arith.constant 0 : i32
      %dma_start3A_21 = tpu.memref_slice %arg11[%dma_start3A_17, %dma_start3A_19, %dma_start3A_20] : memref<3x128x128xbf16, #tpu.memory_space<vmem>> -> memref<1x128x128xbf16, #tpu.memory_space<vmem>>
      %dma_start3A_22 = tpu.memref_squeeze %dma_start3A_21 : memref<1x128x128xbf16, #tpu.memory_space<vmem>> -> memref<128x128xbf16, #tpu.memory_space<vmem>>
      %dma_start3A_23 = arith.constant 0 : i32
      %dma_start3A_24 = tpu.memref_slice %arg9[%dma_start3A, %dma_start3A_23] : memref<81x128xi32, #tpu.memory_space<vmem>> -> memref<1x128xi32, #tpu.memory_space<vmem>>
      %dma_start3A_25 = tpu.memref_squeeze %dma_start3A_24 : memref<1x128xi32, #tpu.memory_space<vmem>> -> memref<128xi32, #tpu.memory_space<vmem>>
      %dma_start3A_26 = arith.constant 0 : i32
      %dma_start3A_27 = arith.constant 0 : i32
      %dma_start3A_28 = tpu.memref_slice %arg15[%dma_start3A_26, %dma_start3A_27] : memref<10112x128xbf16, #tpu.memory_space<vmem_shared>> -> memref<10112x128xbf16, #tpu.memory_space<vmem_shared>>
      %dma_start3A_29 = tpu.memref_slice %arg12[%dma_start3A_18] : memref<3x!tpu.dma_semaphore, #tpu.memory_space<semaphore_mem>> -> memref<1x!tpu.dma_semaphore, #tpu.memory_space<semaphore_mem>>
      %dma_start3A_30 = tpu.memref_squeeze %dma_start3A_29 : memref<1x!tpu.dma_semaphore, #tpu.memory_space<semaphore_mem>> -> memref<!tpu.dma_semaphore, #tpu.memory_space<semaphore_mem>>
      tpu.enqueue_indirect_dma source(%dma_start3A_28 : memref<10112x128xbf16, #tpu.memory_space<vmem_shared>>) target(%dma_start3A_22 : memref<128x128xbf16, #tpu.memory_space<vmem>>) offsets(%dma_start3A_25 : memref<128xi32, #tpu.memory_space<vmem>>) semaphore(%dma_start3A_30 : memref<!tpu.dma_semaphore, #tpu.memory_space<semaphore_mem>>)
      %dma_start3A_31 = arith.constant 1 : i32
      %dma_start3A_32 = arith.constant 1 : i32
      %dma_start3A_33 = arith.constant 1 : i32
      %dma_start3A_34 = arith.constant 0 : i32
      %dma_start3A_35 = arith.constant 0 : i32
      %dma_start3A_36 = tpu.memref_slice %arg11[%dma_start3A_32, %dma_start3A_34, %dma_start3A_35] : memref<3x128x128xbf16, #tpu.memory_space<vmem>> -> memref<1x128x128xbf16, #tpu.memory_space<vmem>>
      %dma_start3A_37 = tpu.memref_squeeze %dma_start3A_36 : memref<1x128x128xbf16, #tpu.memory_space<vmem>> -> memref<128x128xbf16, #tpu.memory_space<vmem>>
      %dma_start3A_38 = arith.constant 0 : i32
      %dma_start3A_39 = tpu.memref_slice %arg9[%dma_start3A_31, %dma_start3A_38] : memref<81x128xi32, #tpu.memory_space<vmem>> -> memref<1x128xi32, #tpu.memory_space<vmem>>
      %dma_start3A_40 = tpu.memref_squeeze %dma_start3A_39 : memref<1x128xi32, #tpu.memory_space<vmem>> -> memref<128xi32, #tpu.memory_space<vmem>>
      %dma_start3A_41 = arith.constant 0 : i32
      %dma_start3A_42 = arith.constant 0 : i32
      %dma_start3A_43 = tpu.memref_slice %arg15[%dma_start3A_41, %dma_start3A_42] : memref<10112x128xbf16, #tpu.memory_space<vmem_shared>> -> memref<10112x128xbf16, #tpu.memory_space<vmem_shared>>
      %dma_start3A_44 = tpu.memref_slice %arg12[%dma_start3A_33] : memref<3x!tpu.dma_semaphore, #tpu.memory_space<semaphore_mem>> -> memref<1x!tpu.dma_semaphore, #tpu.memory_space<semaphore_mem>>
      %dma_start3A_45 = tpu.memref_squeeze %dma_start3A_44 : memref<1x!tpu.dma_semaphore, #tpu.memory_space<semaphore_mem>> -> memref<!tpu.dma_semaphore, #tpu.memory_space<semaphore_mem>>
      tpu.enqueue_indirect_dma source(%dma_start3A_43 : memref<10112x128xbf16, #tpu.memory_space<vmem_shared>>) target(%dma_start3A_37 : memref<128x128xbf16, #tpu.memory_space<vmem>>) offsets(%dma_start3A_40 : memref<128xi32, #tpu.memory_space<vmem>>) semaphore(%dma_start3A_45 : memref<!tpu.dma_semaphore, #tpu.memory_space<semaphore_mem>>)
      %dma_start3A_46 = arith.constant 2 : i32
      %dma_start3A_47 = arith.constant 2 : i32
      %dma_start3A_48 = arith.constant 2 : i32
      %dma_start3A_49 = arith.constant 0 : i32
      %dma_start3A_50 = arith.constant 0 : i32
      %dma_start3A_51 = tpu.memref_slice %arg11[%dma_start3A_47, %dma_start3A_49, %dma_start3A_50] : memref<3x128x128xbf16, #tpu.memory_space<vmem>> -> memref<1x128x128xbf16, #tpu.memory_space<vmem>>
      %dma_start3A_52 = tpu.memref_squeeze %dma_start3A_51 : memref<1x128x128xbf16, #tpu.memory_space<vmem>> -> memref<128x128xbf16, #tpu.memory_space<vmem>>
      %dma_start3A_53 = arith.constant 0 : i32
      %dma_start3A_54 = tpu.memref_slice %arg9[%dma_start3A_46, %dma_start3A_53] : memref<81x128xi32, #tpu.memory_space<vmem>> -> memref<1x128xi32, #tpu.memory_space<vmem>>
      %dma_start3A_55 = tpu.memref_squeeze %dma_start3A_54 : memref<1x128xi32, #tpu.memory_space<vmem>> -> memref<128xi32, #tpu.memory_space<vmem>>
      %dma_start3A_56 = arith.constant 0 : i32
      %dma_start3A_57 = arith.constant 0 : i32
      %dma_start3A_58 = tpu.memref_slice %arg15[%dma_start3A_56, %dma_start3A_57] : memref<10112x128xbf16, #tpu.memory_space<vmem_shared>> -> memref<10112x128xbf16, #tpu.memory_space<vmem_shared>>
      %dma_start3A_59 = tpu.memref_slice %arg12[%dma_start3A_48] : memref<3x!tpu.dma_semaphore, #tpu.memory_space<semaphore_mem>> -> memref<1x!tpu.dma_semaphore, #tpu.memory_space<semaphore_mem>>
      %dma_start3A_60 = tpu.memref_squeeze %dma_start3A_59 : memref<1x!tpu.dma_semaphore, #tpu.memory_space<semaphore_mem>> -> memref<!tpu.dma_semaphore, #tpu.memory_space<semaphore_mem>>
      tpu.enqueue_indirect_dma source(%dma_start3A_58 : memref<10112x128xbf16, #tpu.memory_space<vmem_shared>>) target(%dma_start3A_52 : memref<128x128xbf16, #tpu.memory_space<vmem>>) offsets(%dma_start3A_55 : memref<128xi32, #tpu.memory_space<vmem>>) semaphore(%dma_start3A_60 : memref<!tpu.dma_semaphore, #tpu.memory_space<semaphore_mem>>)
      %scan3A = arith.constant 0 : i32
      %scan3A_61 = arith.constant 0 : i32
      %scan3A_62 = arith.constant 27 : i32
      %scan3A_63 = arith.addi %scan3A_61, %scan3A_62 : i32
      %scan3A_64 = arith.constant 1 : i32
      %scan3A_65 = scf.for %scan3A_72 = %scan3A_61 to %scan3A_63 step %scan3A_64 iter_args(%scan3A_73 = %scan3A) -> (i32)  : i32 {
        %mul3A_74 = arith.constant 3 : i32
        %mul3A_75 = arith.muli %scan3A_72, %mul3A_74 : i32
        %add3A = arith.constant 0 : i32
        %add3A_76 = arith.addi %mul3A_75, %add3A : i32
        %dma_wait3A = arith.constant 0 : i32
        %dma_wait3A_77 = arith.constant 0 : i32
        %dma_wait3A_78 = arith.constant 0 : i32
        %dma_wait3A_79 = arith.constant 0 : i32
        %dma_wait3A_80 = tpu.memref_slice %arg11[%dma_wait3A, %dma_wait3A_78, %dma_wait3A_79] : memref<3x128x128xbf16, #tpu.memory_space<vmem>> -> memref<1x128x128xbf16, #tpu.memory_space<vmem>>
        %dma_wait3A_81 = tpu.memref_squeeze %dma_wait3A_80 : memref<1x128x128xbf16, #tpu.memory_space<vmem>> -> memref<128x128xbf16, #tpu.memory_space<vmem>>
        %dma_wait3A_82 = arith.constant 0 : i32
        %dma_wait3A_83 = tpu.memref_slice %arg9[%add3A_76, %dma_wait3A_82] : memref<81x128xi32, #tpu.memory_space<vmem>> -> memref<1x128xi32, #tpu.memory_space<vmem>>
        %dma_wait3A_84 = tpu.memref_squeeze %dma_wait3A_83 : memref<1x128xi32, #tpu.memory_space<vmem>> -> memref<128xi32, #tpu.memory_space<vmem>>
        %dma_wait3A_85 = arith.constant 0 : i32
        %dma_wait3A_86 = arith.constant 0 : i32
        %dma_wait3A_87 = tpu.memref_slice %arg15[%dma_wait3A_85, %dma_wait3A_86] : memref<10112x128xbf16, #tpu.memory_space<vmem_shared>> -> memref<10112x128xbf16, #tpu.memory_space<vmem_shared>>
        %dma_wait3A_88 = tpu.memref_slice %arg12[%dma_wait3A_77] : memref<3x!tpu.dma_semaphore, #tpu.memory_space<semaphore_mem>> -> memref<1x!tpu.dma_semaphore, #tpu.memory_space<semaphore_mem>>
        %dma_wait3A_89 = tpu.memref_squeeze %dma_wait3A_88 : memref<1x!tpu.dma_semaphore, #tpu.memory_space<semaphore_mem>> -> memref<!tpu.dma_semaphore, #tpu.memory_space<semaphore_mem>>
        tpu.wait_indirect_dma semaphore(%dma_wait3A_89 : memref<!tpu.dma_semaphore, #tpu.memory_space<semaphore_mem>>) src(%dma_wait3A_87 : memref<10112x128xbf16, #tpu.memory_space<vmem_shared>>) dst(%dma_wait3A_81 : memref<128x128xbf16, #tpu.memory_space<vmem>>)
        %add3A_90 = arith.constant 0 : i32
        %add3A_91 = arith.addi %mul3A_75, %add3A_90 : i32
        %dma_start3A_92 = arith.constant 0 : i32
        %dma_start3A_93 = arith.constant 0 : i32
        %dma_start3A_94 = arith.constant 0 : i32
        %dma_start3A_95 = arith.constant 0 : i32
        %dma_start3A_96 = tpu.memref_slice %arg11[%dma_start3A_92, %dma_start3A_94, %dma_start3A_95] : memref<3x128x128xbf16, #tpu.memory_space<vmem>> -> memref<1x128x128xbf16, #tpu.memory_space<vmem>>
        %dma_start3A_97 = tpu.memref_squeeze %dma_start3A_96 : memref<1x128x128xbf16, #tpu.memory_space<vmem>> -> memref<128x128xbf16, #tpu.memory_space<vmem>>
        %dma_start3A_98 = arith.constant 0 : i32
        %dma_start3A_99 = tpu.memref_slice %arg10[%add3A_91, %dma_start3A_98] : memref<81x128xi32, #tpu.memory_space<vmem>> -> memref<1x128xi32, #tpu.memory_space<vmem>>
        %dma_start3A_100 = tpu.memref_squeeze %dma_start3A_99 : memref<1x128xi32, #tpu.memory_space<vmem>> -> memref<128xi32, #tpu.memory_space<vmem>>
        %dma_start3A_101 = arith.constant 0 : i32
        %dma_start3A_102 = arith.constant 0 : i32
        %dma_start3A_103 = tpu.memref_slice %arg14[%dma_start3A_101, %dma_start3A_102] : memref<10112x128xbf16, #tpu.memory_space<vmem_shared>> -> memref<10112x128xbf16, #tpu.memory_space<vmem_shared>>
        %dma_start3A_104 = tpu.memref_slice %arg13[%dma_start3A_93] : memref<3x!tpu.dma_semaphore, #tpu.memory_space<semaphore_mem>> -> memref<1x!tpu.dma_semaphore, #tpu.memory_space<semaphore_mem>>
        %dma_start3A_105 = tpu.memref_squeeze %dma_start3A_104 : memref<1x!tpu.dma_semaphore, #tpu.memory_space<semaphore_mem>> -> memref<!tpu.dma_semaphore, #tpu.memory_space<semaphore_mem>>
        tpu.enqueue_indirect_dma source(%dma_start3A_97 : memref<128x128xbf16, #tpu.memory_space<vmem>>) target(%dma_start3A_103 : memref<10112x128xbf16, #tpu.memory_space<vmem_shared>>) offsets(%dma_start3A_100 : memref<128xi32, #tpu.memory_space<vmem>>) semaphore(%dma_start3A_105 : memref<!tpu.dma_semaphore, #tpu.memory_space<semaphore_mem>>) {add = true}
        %add3A_106 = arith.constant 1 : i32
        %add3A_107 = arith.addi %mul3A_75, %add3A_106 : i32
        %dma_wait3A_108 = arith.constant 1 : i32
        %dma_wait3A_109 = arith.constant 1 : i32
        %dma_wait3A_110 = arith.constant 0 : i32
        %dma_wait3A_111 = arith.constant 0 : i32
        %dma_wait3A_112 = tpu.memref_slice %arg11[%dma_wait3A_108, %dma_wait3A_110, %dma_wait3A_111] : memref<3x128x128xbf16, #tpu.memory_space<vmem>> -> memref<1x128x128xbf16, #tpu.memory_space<vmem>>
        %dma_wait3A_113 = tpu.memref_squeeze %dma_wait3A_112 : memref<1x128x128xbf16, #tpu.memory_space<vmem>> -> memref<128x128xbf16, #tpu.memory_space<vmem>>
        %dma_wait3A_114 = arith.constant 0 : i32
        %dma_wait3A_115 = tpu.memref_slice %arg9[%add3A_107, %dma_wait3A_114] : memref<81x128xi32, #tpu.memory_space<vmem>> -> memref<1x128xi32, #tpu.memory_space<vmem>>
        %dma_wait3A_116 = tpu.memref_squeeze %dma_wait3A_115 : memref<1x128xi32, #tpu.memory_space<vmem>> -> memref<128xi32, #tpu.memory_space<vmem>>
        %dma_wait3A_117 = arith.constant 0 : i32
        %dma_wait3A_118 = arith.constant 0 : i32
        %dma_wait3A_119 = tpu.memref_slice %arg15[%dma_wait3A_117, %dma_wait3A_118] : memref<10112x128xbf16, #tpu.memory_space<vmem_shared>> -> memref<10112x128xbf16, #tpu.memory_space<vmem_shared>>
        %dma_wait3A_120 = tpu.memref_slice %arg12[%dma_wait3A_109] : memref<3x!tpu.dma_semaphore, #tpu.memory_space<semaphore_mem>> -> memref<1x!tpu.dma_semaphore, #tpu.memory_space<semaphore_mem>>
        %dma_wait3A_121 = tpu.memref_squeeze %dma_wait3A_120 : memref<1x!tpu.dma_semaphore, #tpu.memory_space<semaphore_mem>> -> memref<!tpu.dma_semaphore, #tpu.memory_space<semaphore_mem>>
        tpu.wait_indirect_dma semaphore(%dma_wait3A_121 : memref<!tpu.dma_semaphore, #tpu.memory_space<semaphore_mem>>) src(%dma_wait3A_119 : memref<10112x128xbf16, #tpu.memory_space<vmem_shared>>) dst(%dma_wait3A_113 : memref<128x128xbf16, #tpu.memory_space<vmem>>)
        %add3A_122 = arith.constant 1 : i32
        %add3A_123 = arith.addi %mul3A_75, %add3A_122 : i32
        %dma_start3A_124 = arith.constant 1 : i32
        %dma_start3A_125 = arith.constant 1 : i32
        %dma_start3A_126 = arith.constant 0 : i32
        %dma_start3A_127 = arith.constant 0 : i32
        %dma_start3A_128 = tpu.memref_slice %arg11[%dma_start3A_124, %dma_start3A_126, %dma_start3A_127] : memref<3x128x128xbf16, #tpu.memory_space<vmem>> -> memref<1x128x128xbf16, #tpu.memory_space<vmem>>
        %dma_start3A_129 = tpu.memref_squeeze %dma_start3A_128 : memref<1x128x128xbf16, #tpu.memory_space<vmem>> -> memref<128x128xbf16, #tpu.memory_space<vmem>>
        %dma_start3A_130 = arith.constant 0 : i32
        %dma_start3A_131 = tpu.memref_slice %arg10[%add3A_123, %dma_start3A_130] : memref<81x128xi32, #tpu.memory_space<vmem>> -> memref<1x128xi32, #tpu.memory_space<vmem>>
        %dma_start3A_132 = tpu.memref_squeeze %dma_start3A_131 : memref<1x128xi32, #tpu.memory_space<vmem>> -> memref<128xi32, #tpu.memory_space<vmem>>
        %dma_start3A_133 = arith.constant 0 : i32
        %dma_start3A_134 = arith.constant 0 : i32
        %dma_start3A_135 = tpu.memref_slice %arg14[%dma_start3A_133, %dma_start3A_134] : memref<10112x128xbf16, #tpu.memory_space<vmem_shared>> -> memref<10112x128xbf16, #tpu.memory_space<vmem_shared>>
        %dma_start3A_136 = tpu.memref_slice %arg13[%dma_start3A_125] : memref<3x!tpu.dma_semaphore, #tpu.memory_space<semaphore_mem>> -> memref<1x!tpu.dma_semaphore, #tpu.memory_space<semaphore_mem>>
        %dma_start3A_137 = tpu.memref_squeeze %dma_start3A_136 : memref<1x!tpu.dma_semaphore, #tpu.memory_space<semaphore_mem>> -> memref<!tpu.dma_semaphore, #tpu.memory_space<semaphore_mem>>
        tpu.enqueue_indirect_dma source(%dma_start3A_129 : memref<128x128xbf16, #tpu.memory_space<vmem>>) target(%dma_start3A_135 : memref<10112x128xbf16, #tpu.memory_space<vmem_shared>>) offsets(%dma_start3A_132 : memref<128xi32, #tpu.memory_space<vmem>>) semaphore(%dma_start3A_137 : memref<!tpu.dma_semaphore, #tpu.memory_space<semaphore_mem>>) {add = true}
        %add3A_138 = arith.constant 2 : i32
        %add3A_139 = arith.addi %mul3A_75, %add3A_138 : i32
        %dma_wait3A_140 = arith.constant 2 : i32
        %dma_wait3A_141 = arith.constant 2 : i32
        %dma_wait3A_142 = arith.constant 0 : i32
        %dma_wait3A_143 = arith.constant 0 : i32
        %dma_wait3A_144 = tpu.memref_slice %arg11[%dma_wait3A_140, %dma_wait3A_142, %dma_wait3A_143] : memref<3x128x128xbf16, #tpu.memory_space<vmem>> -> memref<1x128x128xbf16, #tpu.memory_space<vmem>>
        %dma_wait3A_145 = tpu.memref_squeeze %dma_wait3A_144 : memref<1x128x128xbf16, #tpu.memory_space<vmem>> -> memref<128x128xbf16, #tpu.memory_space<vmem>>
        %dma_wait3A_146 = arith.constant 0 : i32
        %dma_wait3A_147 = tpu.memref_slice %arg9[%add3A_139, %dma_wait3A_146] : memref<81x128xi32, #tpu.memory_space<vmem>> -> memref<1x128xi32, #tpu.memory_space<vmem>>
        %dma_wait3A_148 = tpu.memref_squeeze %dma_wait3A_147 : memref<1x128xi32, #tpu.memory_space<vmem>> -> memref<128xi32, #tpu.memory_space<vmem>>
        %dma_wait3A_149 = arith.constant 0 : i32
        %dma_wait3A_150 = arith.constant 0 : i32
        %dma_wait3A_151 = tpu.memref_slice %arg15[%dma_wait3A_149, %dma_wait3A_150] : memref<10112x128xbf16, #tpu.memory_space<vmem_shared>> -> memref<10112x128xbf16, #tpu.memory_space<vmem_shared>>
        %dma_wait3A_152 = tpu.memref_slice %arg12[%dma_wait3A_141] : memref<3x!tpu.dma_semaphore, #tpu.memory_space<semaphore_mem>> -> memref<1x!tpu.dma_semaphore, #tpu.memory_space<semaphore_mem>>
        %dma_wait3A_153 = tpu.memref_squeeze %dma_wait3A_152 : memref<1x!tpu.dma_semaphore, #tpu.memory_space<semaphore_mem>> -> memref<!tpu.dma_semaphore, #tpu.memory_space<semaphore_mem>>
        tpu.wait_indirect_dma semaphore(%dma_wait3A_153 : memref<!tpu.dma_semaphore, #tpu.memory_space<semaphore_mem>>) src(%dma_wait3A_151 : memref<10112x128xbf16, #tpu.memory_space<vmem_shared>>) dst(%dma_wait3A_145 : memref<128x128xbf16, #tpu.memory_space<vmem>>)
        %add3A_154 = arith.constant 2 : i32
        %add3A_155 = arith.addi %mul3A_75, %add3A_154 : i32
        %dma_start3A_156 = arith.constant 2 : i32
        %dma_start3A_157 = arith.constant 2 : i32
        %dma_start3A_158 = arith.constant 0 : i32
        %dma_start3A_159 = arith.constant 0 : i32
        %dma_start3A_160 = tpu.memref_slice %arg11[%dma_start3A_156, %dma_start3A_158, %dma_start3A_159] : memref<3x128x128xbf16, #tpu.memory_space<vmem>> -> memref<1x128x128xbf16, #tpu.memory_space<vmem>>
        %dma_start3A_161 = tpu.memref_squeeze %dma_start3A_160 : memref<1x128x128xbf16, #tpu.memory_space<vmem>> -> memref<128x128xbf16, #tpu.memory_space<vmem>>
        %dma_start3A_162 = arith.constant 0 : i32
        %dma_start3A_163 = tpu.memref_slice %arg10[%add3A_155, %dma_start3A_162] : memref<81x128xi32, #tpu.memory_space<vmem>> -> memref<1x128xi32, #tpu.memory_space<vmem>>
        %dma_start3A_164 = tpu.memref_squeeze %dma_start3A_163 : memref<1x128xi32, #tpu.memory_space<vmem>> -> memref<128xi32, #tpu.memory_space<vmem>>
        %dma_start3A_165 = arith.constant 0 : i32
        %dma_start3A_166 = arith.constant 0 : i32
        %dma_start3A_167 = tpu.memref_slice %arg14[%dma_start3A_165, %dma_start3A_166] : memref<10112x128xbf16, #tpu.memory_space<vmem_shared>> -> memref<10112x128xbf16, #tpu.memory_space<vmem_shared>>
        %dma_start3A_168 = tpu.memref_slice %arg13[%dma_start3A_157] : memref<3x!tpu.dma_semaphore, #tpu.memory_space<semaphore_mem>> -> memref<1x!tpu.dma_semaphore, #tpu.memory_space<semaphore_mem>>
        %dma_start3A_169 = tpu.memref_squeeze %dma_start3A_168 : memref<1x!tpu.dma_semaphore, #tpu.memory_space<semaphore_mem>> -> memref<!tpu.dma_semaphore, #tpu.memory_space<semaphore_mem>>
        tpu.enqueue_indirect_dma source(%dma_start3A_161 : memref<128x128xbf16, #tpu.memory_space<vmem>>) target(%dma_start3A_167 : memref<10112x128xbf16, #tpu.memory_space<vmem_shared>>) offsets(%dma_start3A_164 : memref<128xi32, #tpu.memory_space<vmem>>) semaphore(%dma_start3A_169 : memref<!tpu.dma_semaphore, #tpu.memory_space<semaphore_mem>>) {add = true}
        %add3A_170 = arith.constant 0 : i32
        %add3A_171 = arith.addi %mul3A_75, %add3A_170 : i32
        %dma_wait3A_172 = arith.constant 0 : i32
        %dma_wait3A_173 = arith.constant 0 : i32
        %dma_wait3A_174 = arith.constant 0 : i32
        %dma_wait3A_175 = arith.constant 0 : i32
        %dma_wait3A_176 = tpu.memref_slice %arg11[%dma_wait3A_172, %dma_wait3A_174, %dma_wait3A_175] : memref<3x128x128xbf16, #tpu.memory_space<vmem>> -> memref<1x128x128xbf16, #tpu.memory_space<vmem>>
        %dma_wait3A_177 = tpu.memref_squeeze %dma_wait3A_176 : memref<1x128x128xbf16, #tpu.memory_space<vmem>> -> memref<128x128xbf16, #tpu.memory_space<vmem>>
        %dma_wait3A_178 = arith.constant 0 : i32
        %dma_wait3A_179 = tpu.memref_slice %arg10[%add3A_171, %dma_wait3A_178] : memref<81x128xi32, #tpu.memory_space<vmem>> -> memref<1x128xi32, #tpu.memory_space<vmem>>
        %dma_wait3A_180 = tpu.memref_squeeze %dma_wait3A_179 : memref<1x128xi32, #tpu.memory_space<vmem>> -> memref<128xi32, #tpu.memory_space<vmem>>
        %dma_wait3A_181 = arith.constant 0 : i32
        %dma_wait3A_182 = arith.constant 0 : i32
        %dma_wait3A_183 = tpu.memref_slice %arg14[%dma_wait3A_181, %dma_wait3A_182] : memref<10112x128xbf16, #tpu.memory_space<vmem_shared>> -> memref<10112x128xbf16, #tpu.memory_space<vmem_shared>>
        %dma_wait3A_184 = tpu.memref_slice %arg13[%dma_wait3A_173] : memref<3x!tpu.dma_semaphore, #tpu.memory_space<semaphore_mem>> -> memref<1x!tpu.dma_semaphore, #tpu.memory_space<semaphore_mem>>
        %dma_wait3A_185 = tpu.memref_squeeze %dma_wait3A_184 : memref<1x!tpu.dma_semaphore, #tpu.memory_space<semaphore_mem>> -> memref<!tpu.dma_semaphore, #tpu.memory_space<semaphore_mem>>
        tpu.wait_indirect_dma semaphore(%dma_wait3A_185 : memref<!tpu.dma_semaphore, #tpu.memory_space<semaphore_mem>>) src(%dma_wait3A_177 : memref<128x128xbf16, #tpu.memory_space<vmem>>) dst(%dma_wait3A_183 : memref<10112x128xbf16, #tpu.memory_space<vmem_shared>>)
        %add3A_186 = arith.constant 0 : i32
        %add3A_187 = arith.addi %mul3A_75, %add3A_186 : i32
        %add3A_188 = arith.constant 3 : i32
        %add3A_189 = arith.addi %add3A_187, %add3A_188 : i32
        %lt3A_190 = arith.constant 81 : i32
        %lt3A_191 = arith.cmpi slt, %add3A_189, %lt3A_190 : i32
        %convert_element_type3A_192 = arith.extui %lt3A_191 : i1 to i32
        %cond3A_193 = arith.constant 0 : i32
        %cond3A_194 = arith.cmpi ne, %convert_element_type3A_192, %cond3A_193 : i32
        scf.if %cond3A_194 {
          %dma_start3A_246 = arith.constant 0 : i32
          %dma_start3A_247 = arith.constant 0 : i32
          %dma_start3A_248 = arith.constant 0 : i32
          %dma_start3A_249 = arith.constant 0 : i32
          %dma_start3A_250 = tpu.memref_slice %arg11[%dma_start3A_246, %dma_start3A_248, %dma_start3A_249] : memref<3x128x128xbf16, #tpu.memory_space<vmem>> -> memref<1x128x128xbf16, #tpu.memory_space<vmem>>
          %dma_start3A_251 = tpu.memref_squeeze %dma_start3A_250 : memref<1x128x128xbf16, #tpu.memory_space<vmem>> -> memref<128x128xbf16, #tpu.memory_space<vmem>>
          %dma_start3A_252 = arith.constant 0 : i32
          %dma_start3A_253 = tpu.memref_slice %arg9[%add3A_189, %dma_start3A_252] : memref<81x128xi32, #tpu.memory_space<vmem>> -> memref<1x128xi32, #tpu.memory_space<vmem>>
          %dma_start3A_254 = tpu.memref_squeeze %dma_start3A_253 : memref<1x128xi32, #tpu.memory_space<vmem>> -> memref<128xi32, #tpu.memory_space<vmem>>
          %dma_start3A_255 = arith.constant 0 : i32
          %dma_start3A_256 = arith.constant 0 : i32
          %dma_start3A_257 = tpu.memref_slice %arg15[%dma_start3A_255, %dma_start3A_256] : memref<10112x128xbf16, #tpu.memory_space<vmem_shared>> -> memref<10112x128xbf16, #tpu.memory_space<vmem_shared>>
          %dma_start3A_258 = tpu.memref_slice %arg12[%dma_start3A_247] : memref<3x!tpu.dma_semaphore, #tpu.memory_space<semaphore_mem>> -> memref<1x!tpu.dma_semaphore, #tpu.memory_space<semaphore_mem>>
          %dma_start3A_259 = tpu.memref_squeeze %dma_start3A_258 : memref<1x!tpu.dma_semaphore, #tpu.memory_space<semaphore_mem>> -> memref<!tpu.dma_semaphore, #tpu.memory_space<semaphore_mem>>
          tpu.enqueue_indirect_dma source(%dma_start3A_257 : memref<10112x128xbf16, #tpu.memory_space<vmem_shared>>) target(%dma_start3A_251 : memref<128x128xbf16, #tpu.memory_space<vmem>>) offsets(%dma_start3A_254 : memref<128xi32, #tpu.memory_space<vmem>>) semaphore(%dma_start3A_259 : memref<!tpu.dma_semaphore, #tpu.memory_space<semaphore_mem>>)
        } else {
        }
        %add3A_195 = arith.constant 1 : i32
        %add3A_196 = arith.addi %mul3A_75, %add3A_195 : i32
        %dma_wait3A_197 = arith.constant 1 : i32
        %dma_wait3A_198 = arith.constant 1 : i32
        %dma_wait3A_199 = arith.constant 0 : i32
        %dma_wait3A_200 = arith.constant 0 : i32
        %dma_wait3A_201 = tpu.memref_slice %arg11[%dma_wait3A_197, %dma_wait3A_199, %dma_wait3A_200] : memref<3x128x128xbf16, #tpu.memory_space<vmem>> -> memref<1x128x128xbf16, #tpu.memory_space<vmem>>
        %dma_wait3A_202 = tpu.memref_squeeze %dma_wait3A_201 : memref<1x128x128xbf16, #tpu.memory_space<vmem>> -> memref<128x128xbf16, #tpu.memory_space<vmem>>
        %dma_wait3A_203 = arith.constant 0 : i32
        %dma_wait3A_204 = tpu.memref_slice %arg10[%add3A_196, %dma_wait3A_203] : memref<81x128xi32, #tpu.memory_space<vmem>> -> memref<1x128xi32, #tpu.memory_space<vmem>>
        %dma_wait3A_205 = tpu.memref_squeeze %dma_wait3A_204 : memref<1x128xi32, #tpu.memory_space<vmem>> -> memref<128xi32, #tpu.memory_space<vmem>>
        %dma_wait3A_206 = arith.constant 0 : i32
        %dma_wait3A_207 = arith.constant 0 : i32
        %dma_wait3A_208 = tpu.memref_slice %arg14[%dma_wait3A_206, %dma_wait3A_207] : memref<10112x128xbf16, #tpu.memory_space<vmem_shared>> -> memref<10112x128xbf16, #tpu.memory_space<vmem_shared>>
        %dma_wait3A_209 = tpu.memref_slice %arg13[%dma_wait3A_198] : memref<3x!tpu.dma_semaphore, #tpu.memory_space<semaphore_mem>> -> memref<1x!tpu.dma_semaphore, #tpu.memory_space<semaphore_mem>>
        %dma_wait3A_210 = tpu.memref_squeeze %dma_wait3A_209 : memref<1x!tpu.dma_semaphore, #tpu.memory_space<semaphore_mem>> -> memref<!tpu.dma_semaphore, #tpu.memory_space<semaphore_mem>>
        tpu.wait_indirect_dma semaphore(%dma_wait3A_210 : memref<!tpu.dma_semaphore, #tpu.memory_space<semaphore_mem>>) src(%dma_wait3A_202 : memref<128x128xbf16, #tpu.memory_space<vmem>>) dst(%dma_wait3A_208 : memref<10112x128xbf16, #tpu.memory_space<vmem_shared>>)
        %add3A_211 = arith.constant 1 : i32
        %add3A_212 = arith.addi %mul3A_75, %add3A_211 : i32
        %add3A_213 = arith.constant 3 : i32
        %add3A_214 = arith.addi %add3A_212, %add3A_213 : i32
        %lt3A_215 = arith.constant 81 : i32
        %lt3A_216 = arith.cmpi slt, %add3A_214, %lt3A_215 : i32
        %convert_element_type3A_217 = arith.extui %lt3A_216 : i1 to i32
        %cond3A_218 = arith.constant 0 : i32
        %cond3A_219 = arith.cmpi ne, %convert_element_type3A_217, %cond3A_218 : i32
        scf.if %cond3A_219 {
          %dma_start3A_246 = arith.constant 1 : i32
          %dma_start3A_247 = arith.constant 1 : i32
          %dma_start3A_248 = arith.constant 0 : i32
          %dma_start3A_249 = arith.constant 0 : i32
          %dma_start3A_250 = tpu.memref_slice %arg11[%dma_start3A_246, %dma_start3A_248, %dma_start3A_249] : memref<3x128x128xbf16, #tpu.memory_space<vmem>> -> memref<1x128x128xbf16, #tpu.memory_space<vmem>>
          %dma_start3A_251 = tpu.memref_squeeze %dma_start3A_250 : memref<1x128x128xbf16, #tpu.memory_space<vmem>> -> memref<128x128xbf16, #tpu.memory_space<vmem>>
          %dma_start3A_252 = arith.constant 0 : i32
          %dma_start3A_253 = tpu.memref_slice %arg9[%add3A_214, %dma_start3A_252] : memref<81x128xi32, #tpu.memory_space<vmem>> -> memref<1x128xi32, #tpu.memory_space<vmem>>
          %dma_start3A_254 = tpu.memref_squeeze %dma_start3A_253 : memref<1x128xi32, #tpu.memory_space<vmem>> -> memref<128xi32, #tpu.memory_space<vmem>>
          %dma_start3A_255 = arith.constant 0 : i32
          %dma_start3A_256 = arith.constant 0 : i32
          %dma_start3A_257 = tpu.memref_slice %arg15[%dma_start3A_255, %dma_start3A_256] : memref<10112x128xbf16, #tpu.memory_space<vmem_shared>> -> memref<10112x128xbf16, #tpu.memory_space<vmem_shared>>
          %dma_start3A_258 = tpu.memref_slice %arg12[%dma_start3A_247] : memref<3x!tpu.dma_semaphore, #tpu.memory_space<semaphore_mem>> -> memref<1x!tpu.dma_semaphore, #tpu.memory_space<semaphore_mem>>
          %dma_start3A_259 = tpu.memref_squeeze %dma_start3A_258 : memref<1x!tpu.dma_semaphore, #tpu.memory_space<semaphore_mem>> -> memref<!tpu.dma_semaphore, #tpu.memory_space<semaphore_mem>>
          tpu.enqueue_indirect_dma source(%dma_start3A_257 : memref<10112x128xbf16, #tpu.memory_space<vmem_shared>>) target(%dma_start3A_251 : memref<128x128xbf16, #tpu.memory_space<vmem>>) offsets(%dma_start3A_254 : memref<128xi32, #tpu.memory_space<vmem>>) semaphore(%dma_start3A_259 : memref<!tpu.dma_semaphore, #tpu.memory_space<semaphore_mem>>)
        } else {
        }
        %add3A_220 = arith.constant 2 : i32
        %add3A_221 = arith.addi %mul3A_75, %add3A_220 : i32
        %dma_wait3A_222 = arith.constant 2 : i32
        %dma_wait3A_223 = arith.constant 2 : i32
        %dma_wait3A_224 = arith.constant 0 : i32
        %dma_wait3A_225 = arith.constant 0 : i32
        %dma_wait3A_226 = tpu.memref_slice %arg11[%dma_wait3A_222, %dma_wait3A_224, %dma_wait3A_225] : memref<3x128x128xbf16, #tpu.memory_space<vmem>> -> memref<1x128x128xbf16, #tpu.memory_space<vmem>>
        %dma_wait3A_227 = tpu.memref_squeeze %dma_wait3A_226 : memref<1x128x128xbf16, #tpu.memory_space<vmem>> -> memref<128x128xbf16, #tpu.memory_space<vmem>>
        %dma_wait3A_228 = arith.constant 0 : i32
        %dma_wait3A_229 = tpu.memref_slice %arg10[%add3A_221, %dma_wait3A_228] : memref<81x128xi32, #tpu.memory_space<vmem>> -> memref<1x128xi32, #tpu.memory_space<vmem>>
        %dma_wait3A_230 = tpu.memref_squeeze %dma_wait3A_229 : memref<1x128xi32, #tpu.memory_space<vmem>> -> memref<128xi32, #tpu.memory_space<vmem>>
        %dma_wait3A_231 = arith.constant 0 : i32
        %dma_wait3A_232 = arith.constant 0 : i32
        %dma_wait3A_233 = tpu.memref_slice %arg14[%dma_wait3A_231, %dma_wait3A_232] : memref<10112x128xbf16, #tpu.memory_space<vmem_shared>> -> memref<10112x128xbf16, #tpu.memory_space<vmem_shared>>
        %dma_wait3A_234 = tpu.memref_slice %arg13[%dma_wait3A_223] : memref<3x!tpu.dma_semaphore, #tpu.memory_space<semaphore_mem>> -> memref<1x!tpu.dma_semaphore, #tpu.memory_space<semaphore_mem>>
        %dma_wait3A_235 = tpu.memref_squeeze %dma_wait3A_234 : memref<1x!tpu.dma_semaphore, #tpu.memory_space<semaphore_mem>> -> memref<!tpu.dma_semaphore, #tpu.memory_space<semaphore_mem>>
        tpu.wait_indirect_dma semaphore(%dma_wait3A_235 : memref<!tpu.dma_semaphore, #tpu.memory_space<semaphore_mem>>) src(%dma_wait3A_227 : memref<128x128xbf16, #tpu.memory_space<vmem>>) dst(%dma_wait3A_233 : memref<10112x128xbf16, #tpu.memory_space<vmem_shared>>)
        %add3A_236 = arith.constant 2 : i32
        %add3A_237 = arith.addi %mul3A_75, %add3A_236 : i32
        %add3A_238 = arith.constant 3 : i32
        %add3A_239 = arith.addi %add3A_237, %add3A_238 : i32
        %lt3A_240 = arith.constant 81 : i32
        %lt3A_241 = arith.cmpi slt, %add3A_239, %lt3A_240 : i32
        %convert_element_type3A_242 = arith.extui %lt3A_241 : i1 to i32
        %cond3A_243 = arith.constant 0 : i32
        %cond3A_244 = arith.cmpi ne, %convert_element_type3A_242, %cond3A_243 : i32
        scf.if %cond3A_244 {
          %dma_start3A_246 = arith.constant 2 : i32
          %dma_start3A_247 = arith.constant 2 : i32
          %dma_start3A_248 = arith.constant 0 : i32
          %dma_start3A_249 = arith.constant 0 : i32
          %dma_start3A_250 = tpu.memref_slice %arg11[%dma_start3A_246, %dma_start3A_248, %dma_start3A_249] : memref<3x128x128xbf16, #tpu.memory_space<vmem>> -> memref<1x128x128xbf16, #tpu.memory_space<vmem>>
          %dma_start3A_251 = tpu.memref_squeeze %dma_start3A_250 : memref<1x128x128xbf16, #tpu.memory_space<vmem>> -> memref<128x128xbf16, #tpu.memory_space<vmem>>
          %dma_start3A_252 = arith.constant 0 : i32
          %dma_start3A_253 = tpu.memref_slice %arg9[%add3A_239, %dma_start3A_252] : memref<81x128xi32, #tpu.memory_space<vmem>> -> memref<1x128xi32, #tpu.memory_space<vmem>>
          %dma_start3A_254 = tpu.memref_squeeze %dma_start3A_253 : memref<1x128xi32, #tpu.memory_space<vmem>> -> memref<128xi32, #tpu.memory_space<vmem>>
          %dma_start3A_255 = arith.constant 0 : i32
          %dma_start3A_256 = arith.constant 0 : i32
          %dma_start3A_257 = tpu.memref_slice %arg15[%dma_start3A_255, %dma_start3A_256] : memref<10112x128xbf16, #tpu.memory_space<vmem_shared>> -> memref<10112x128xbf16, #tpu.memory_space<vmem_shared>>
          %dma_start3A_258 = tpu.memref_slice %arg12[%dma_start3A_247] : memref<3x!tpu.dma_semaphore, #tpu.memory_space<semaphore_mem>> -> memref<1x!tpu.dma_semaphore, #tpu.memory_space<semaphore_mem>>
          %dma_start3A_259 = tpu.memref_squeeze %dma_start3A_258 : memref<1x!tpu.dma_semaphore, #tpu.memory_space<semaphore_mem>> -> memref<!tpu.dma_semaphore, #tpu.memory_space<semaphore_mem>>
          tpu.enqueue_indirect_dma source(%dma_start3A_257 : memref<10112x128xbf16, #tpu.memory_space<vmem_shared>>) target(%dma_start3A_251 : memref<128x128xbf16, #tpu.memory_space<vmem>>) offsets(%dma_start3A_254 : memref<128xi32, #tpu.memory_space<vmem>>) semaphore(%dma_start3A_259 : memref<!tpu.dma_semaphore, #tpu.memory_space<semaphore_mem>>)
        } else {
        }
        %scan3A_245 = arith.constant 0 : i32
        scf.yield %scan3A_245 : i32
      }
      %scan3A_66 = arith.constant 27 : i32
      %barrier3A_67 = arith.constant 0 : index
      tpu.barrier barrier_id(%barrier3A_67)
      %mul3A_68 = arith.constant 632 : i32
      %mul3A_69 = arith.muli %arg1, %mul3A_68 : i32
      %mul3A_70 = arith.constant 632 : i32
      %mul3A_71 = arith.muli %arg1, %mul3A_70 : i32
      "tpu.region"() ({
        %run_scoped3A = tpu.sem_alloc : memref<!tpu.dma_semaphore, #tpu.memory_space<semaphore_mem>>
        %dma_start3A_72 = arith.constant 0 : i32
        %dma_start3A_73 = tpu.memref_slice %arg8[%mul3A_71, %dma_start3A_72] : memref<10112x128xbf16, #tpu.memory_space<hbm>> -> memref<632x128xbf16, #tpu.memory_space<hbm>>
        %dma_start3A_74 = arith.constant 0 : i32
        %dma_start3A_75 = tpu.memref_slice %arg14[%mul3A_69, %dma_start3A_74] : memref<10112x128xbf16, #tpu.memory_space<vmem_shared>> -> memref<632x128xbf16, #tpu.memory_space<vmem_shared>>
        tpu.enqueue_dma source(%dma_start3A_75 : memref<632x128xbf16, #tpu.memory_space<vmem_shared>>) target(%dma_start3A_73 : memref<632x128xbf16, #tpu.memory_space<hbm>>) target_semaphore(%run_scoped3A : memref<!tpu.dma_semaphore, #tpu.memory_space<semaphore_mem>>)
        %dma_wait3A = arith.constant 0 : i32
        %dma_wait3A_76 = tpu.memref_slice %arg8[%mul3A_71, %dma_wait3A] : memref<10112x128xbf16, #tpu.memory_space<hbm>> -> memref<632x128xbf16, #tpu.memory_space<hbm>>
        %dma_wait3A_77 = arith.constant 0 : i32
        %dma_wait3A_78 = tpu.memref_slice %arg14[%mul3A_69, %dma_wait3A_77] : memref<10112x128xbf16, #tpu.memory_space<vmem_shared>> -> memref<632x128xbf16, #tpu.memory_space<vmem_shared>>
        tpu.wait_dma2 semaphore(%run_scoped3A : memref<!tpu.dma_semaphore, #tpu.memory_space<semaphore_mem>>) src(%dma_wait3A_78 : memref<632x128xbf16, #tpu.memory_space<vmem_shared>>) dst(%dma_wait3A_76 : memref<632x128xbf16, #tpu.memory_space<hbm>>)
        tpu.yield
      }) : () -> ()
    } else {
    }
    return
  }
}

module attributes {stable_mosaic.version = 14 : i64} {
  func.func @_dense_body(%arg0: i32, %arg1: memref<2000x256xf32, #tpu.memory_space<vmem>>, %arg2: memref<2000x128xbf16, #tpu.memory_space<vmem>>, %arg3: memref<2000x128xbf16, #tpu.memory_space<vmem>>, %arg4: memref<128x256xf32, #tpu.memory_space<vmem>>, %arg5: memref<128x256xf32, #tpu.memory_space<vmem>>, %arg6: memref<256x256xf32, #tpu.memory_space<vmem>>, %arg7: memref<256x256xf32, #tpu.memory_space<vmem>>, %arg8: memref<1x256xf32, #tpu.memory_space<vmem>>, %arg9: memref<256x64xf32, #tpu.memory_space<vmem>>, %arg10: memref<1x64xf32, #tpu.memory_space<vmem>>, %arg11: memref<256x64xf32, #tpu.memory_space<vmem>>, %arg12: memref<1x64xf32, #tpu.memory_space<vmem>>, %arg13: memref<2000x64xf32, #tpu.memory_space<vmem>>, %arg14: memref<2000x64xf32, #tpu.memory_space<vmem>>) attributes {dimension_semantics = [#tpu.dimension_semantics<arbitrary>], iteration_bounds = array<i64: 5>, scalar_prefetch = 0 : i64, scratch_operands = 0 : i64, tpu.core_type = #tpu.core_type<tc>, window_params = [{transform_indices = @transform_0, window_bounds = array<i64: 2000, 256>}, {transform_indices = @transform_1, window_bounds = array<i64: 2000, 128>}, {transform_indices = @transform_2, window_bounds = array<i64: 2000, 128>}, {pipeline_mode = #tpu.pipeline_mode<synchronous>, transform_indices = @transform_3, window_bounds = array<i64: 128, 256>}, {pipeline_mode = #tpu.pipeline_mode<synchronous>, transform_indices = @transform_4, window_bounds = array<i64: 128, 256>}, {pipeline_mode = #tpu.pipeline_mode<synchronous>, transform_indices = @transform_5, window_bounds = array<i64: 256, 256>}, {pipeline_mode = #tpu.pipeline_mode<synchronous>, transform_indices = @transform_6, window_bounds = array<i64: 256, 256>}, {pipeline_mode = #tpu.pipeline_mode<synchronous>, transform_indices = @transform_7, window_bounds = array<i64: 1, 256>}, {pipeline_mode = #tpu.pipeline_mode<synchronous>, transform_indices = @transform_8, window_bounds = array<i64: 256, 64>}, {pipeline_mode = #tpu.pipeline_mode<synchronous>, transform_indices = @transform_9, window_bounds = array<i64: 1, 64>}, {pipeline_mode = #tpu.pipeline_mode<synchronous>, transform_indices = @transform_10, window_bounds = array<i64: 256, 64>}, {pipeline_mode = #tpu.pipeline_mode<synchronous>, transform_indices = @transform_11, window_bounds = array<i64: 1, 64>}, {transform_indices = @transform_12, window_bounds = array<i64: 2000, 64>}, {transform_indices = @transform_13, window_bounds = array<i64: 2000, 64>}]} {
    %get3A = arith.constant 0 : index
    %get3A_0 = arith.constant 0 : index
    %get3A_1 = vector.load %arg2[%get3A, %get3A_0] : memref<2000x128xbf16, #tpu.memory_space<vmem>>, vector<2000x128xbf16>
    %convert_element_type3A = arith.extf %get3A_1 : vector<2000x128xbf16> to vector<2000x128xf32>
    %get3A_2 = arith.constant 0 : index
    %get3A_3 = arith.constant 0 : index
    %get3A_4 = vector.load %arg4[%get3A_2, %get3A_3] : memref<128x256xf32, #tpu.memory_space<vmem>>, vector<128x256xf32>
    %dot_general3A = arith.constant dense<0.000000e+00> : vector<2000x256xf32>
    %dot_general3A_5 = tpu.matmul %convert_element_type3A, %get3A_4, %dot_general3A {dimension_numbers = #tpu.dot_dimension_numbers<[1], [0], [0], [1], [0, 0, 1, 1], [], []>, transpose_lhs_hint = false} : vector<2000x128xf32>, vector<128x256xf32>, vector<2000x256xf32> -> vector<2000x256xf32>
    %get3A_6 = arith.constant 0 : index
    %get3A_7 = arith.constant 0 : index
    %get3A_8 = vector.load %arg3[%get3A_6, %get3A_7] : memref<2000x128xbf16, #tpu.memory_space<vmem>>, vector<2000x128xbf16>
    %convert_element_type3A_9 = arith.extf %get3A_8 : vector<2000x128xbf16> to vector<2000x128xf32>
    %get3A_10 = arith.constant 0 : index
    %get3A_11 = arith.constant 0 : index
    %get3A_12 = vector.load %arg5[%get3A_10, %get3A_11] : memref<128x256xf32, #tpu.memory_space<vmem>>, vector<128x256xf32>
    %dot_general3A_13 = arith.constant dense<0.000000e+00> : vector<2000x256xf32>
    %dot_general3A_14 = tpu.matmul %convert_element_type3A_9, %get3A_12, %dot_general3A_13 {dimension_numbers = #tpu.dot_dimension_numbers<[1], [0], [0], [1], [0, 0, 1, 1], [], []>, transpose_lhs_hint = false} : vector<2000x128xf32>, vector<128x256xf32>, vector<2000x256xf32> -> vector<2000x256xf32>
    %add3A = arith.addf %dot_general3A_5, %dot_general3A_14 : vector<2000x256xf32>
    %get3A_15 = arith.constant 0 : index
    %get3A_16 = arith.constant 0 : index
    %get3A_17 = vector.load %arg1[%get3A_15, %get3A_16] : memref<2000x256xf32, #tpu.memory_space<vmem>>, vector<2000x256xf32>
    %get3A_18 = arith.constant 0 : index
    %get3A_19 = arith.constant 0 : index
    %get3A_20 = vector.load %arg6[%get3A_18, %get3A_19] : memref<256x256xf32, #tpu.memory_space<vmem>>, vector<256x256xf32>
    %dot_general3A_21 = arith.constant dense<0.000000e+00> : vector<2000x256xf32>
    %dot_general3A_22 = tpu.matmul %get3A_17, %get3A_20, %dot_general3A_21 {dimension_numbers = #tpu.dot_dimension_numbers<[1], [0], [0], [1], [0, 0, 1, 1], [], []>, transpose_lhs_hint = false} : vector<2000x256xf32>, vector<256x256xf32>, vector<2000x256xf32> -> vector<2000x256xf32>
    %get3A_23 = arith.constant 0 : index
    %get3A_24 = arith.constant 0 : index
    %get3A_25 = vector.load %arg7[%get3A_23, %get3A_24] : memref<256x256xf32, #tpu.memory_space<vmem>>, vector<256x256xf32>
    %dot_general3A_26 = arith.constant dense<0.000000e+00> : vector<2000x256xf32>
    %dot_general3A_27 = tpu.matmul %add3A, %get3A_25, %dot_general3A_26 {dimension_numbers = #tpu.dot_dimension_numbers<[1], [0], [0], [1], [0, 0, 1, 1], [], []>, transpose_lhs_hint = false} : vector<2000x256xf32>, vector<256x256xf32>, vector<2000x256xf32> -> vector<2000x256xf32>
    %add3A_28 = arith.addf %dot_general3A_22, %dot_general3A_27 : vector<2000x256xf32>
    %get3A_29 = arith.constant 0 : index
    %get3A_30 = arith.constant 0 : index
    %get3A_31 = vector.load %arg8[%get3A_29, %get3A_30] : memref<1x256xf32, #tpu.memory_space<vmem>>, vector<1x256xf32>
    %add3A_32 = vector.broadcast %get3A_31 : vector<1x256xf32> to vector<2000x256xf32>
    %add3A_33 = arith.addf %add3A_28, %add3A_32 : vector<2000x256xf32>
    %max3A = arith.constant 0.000000e+00 : f32
    %max3A_34 = vector.broadcast %max3A : f32 to vector<2000x256xf32>
    %max3A_35 = arith.maximumf %add3A_33, %max3A_34 : vector<2000x256xf32>
    %get3A_36 = arith.constant 0 : index
    %get3A_37 = arith.constant 0 : index
    %get3A_38 = vector.load %arg9[%get3A_36, %get3A_37] : memref<256x64xf32, #tpu.memory_space<vmem>>, vector<256x64xf32>
    %dot_general3A_39 = arith.constant dense<0.000000e+00> : vector<2000x64xf32>
    %dot_general3A_40 = tpu.matmul %max3A_35, %get3A_38, %dot_general3A_39 {dimension_numbers = #tpu.dot_dimension_numbers<[1], [0], [0], [1], [0, 0, 1, 1], [], []>, transpose_lhs_hint = false} : vector<2000x256xf32>, vector<256x64xf32>, vector<2000x64xf32> -> vector<2000x64xf32>
    %get3A_41 = arith.constant 0 : index
    %get3A_42 = arith.constant 0 : index
    %get3A_43 = vector.load %arg10[%get3A_41, %get3A_42] : memref<1x64xf32, #tpu.memory_space<vmem>>, vector<1x64xf32>
    %add3A_44 = vector.broadcast %get3A_43 : vector<1x64xf32> to vector<2000x64xf32>
    %add3A_45 = arith.addf %dot_general3A_40, %add3A_44 : vector<2000x64xf32>
    %get3A_46 = arith.constant 0 : index
    %get3A_47 = arith.constant 0 : index
    %get3A_48 = vector.load %arg11[%get3A_46, %get3A_47] : memref<256x64xf32, #tpu.memory_space<vmem>>, vector<256x64xf32>
    %dot_general3A_49 = arith.constant dense<0.000000e+00> : vector<2000x64xf32>
    %dot_general3A_50 = tpu.matmul %max3A_35, %get3A_48, %dot_general3A_49 {dimension_numbers = #tpu.dot_dimension_numbers<[1], [0], [0], [1], [0, 0, 1, 1], [], []>, transpose_lhs_hint = false} : vector<2000x256xf32>, vector<256x64xf32>, vector<2000x64xf32> -> vector<2000x64xf32>
    %get3A_51 = arith.constant 0 : index
    %get3A_52 = arith.constant 0 : index
    %get3A_53 = vector.load %arg12[%get3A_51, %get3A_52] : memref<1x64xf32, #tpu.memory_space<vmem>>, vector<1x64xf32>
    %add3A_54 = vector.broadcast %get3A_53 : vector<1x64xf32> to vector<2000x64xf32>
    %add3A_55 = arith.addf %dot_general3A_50, %add3A_54 : vector<2000x64xf32>
    %abs3A = math.absf %add3A_55 : vector<2000x64xf32>
    %neg3A = arith.constant 0.000000e+00 : f32
    %neg3A_56 = vector.broadcast %neg3A : f32 to vector<2000x64xf32>
    %neg3A_57 = arith.subf %neg3A_56, %abs3A : vector<2000x64xf32>
    %mul3A = arith.constant 5.000000e-01 : f32
    %mul3A_58 = vector.broadcast %mul3A : f32 to vector<2000x64xf32>
    %mul3A_59 = arith.mulf %neg3A_57, %mul3A_58 : vector<2000x64xf32>
    %exp3A = math.exp %mul3A_59 : vector<2000x64xf32>
    %get3A_60 = arith.constant 0 : index
    %get3A_61 = arith.constant 0 : index
    %get3A_62 = vector.load %arg13[%get3A_60, %get3A_61] : memref<2000x64xf32, #tpu.memory_space<vmem>>, vector<2000x64xf32>
    %mul3A_63 = arith.mulf %exp3A, %get3A_62 : vector<2000x64xf32>
    %add3A_64 = arith.addf %add3A_45, %mul3A_63 : vector<2000x64xf32>
    %swap3A = arith.constant 0 : index
    %swap3A_65 = arith.constant 0 : index
    %swap3A_66 = vector.load %arg14[%swap3A, %swap3A_65] : memref<2000x64xf32, #tpu.memory_space<vmem>>, vector<2000x64xf32>
    tpu.vector_store %arg14[%swap3A, %swap3A_65], %add3A_64 {strides = array<i32>} : memref<2000x64xf32, #tpu.memory_space<vmem>>, vector<2000x64xf32>,
    return
  }
  func.func @transform_0(%arg0: i32) -> (i32, i32) {
    %c0_i32 = arith.constant 0 : i32
    %c0_i32_0 = arith.constant 0 : i32
    return %arg0, %c0_i32 : i32, i32
  }
  func.func @transform_1(%arg0: i32) -> (i32, i32) {
    %c0_i32 = arith.constant 0 : i32
    %c0_i32_0 = arith.constant 0 : i32
    return %arg0, %c0_i32 : i32, i32
  }
  func.func @transform_2(%arg0: i32) -> (i32, i32) {
    %c0_i32 = arith.constant 0 : i32
    %c0_i32_0 = arith.constant 0 : i32
    return %arg0, %c0_i32 : i32, i32
  }
  func.func @transform_3(%arg0: i32) -> (i32, i32) {
    %c0_i32 = arith.constant 0 : i32
    %c0_i32_0 = arith.constant 0 : i32
    %c0_i32_1 = arith.constant 0 : i32
    return %c0_i32, %c0_i32_0 : i32, i32
  }
  func.func @transform_4(%arg0: i32) -> (i32, i32) {
    %c0_i32 = arith.constant 0 : i32
    %c0_i32_0 = arith.constant 0 : i32
    %c0_i32_1 = arith.constant 0 : i32
    return %c0_i32, %c0_i32_0 : i32, i32
  }
  func.func @transform_5(%arg0: i32) -> (i32, i32) {
    %c0_i32 = arith.constant 0 : i32
    %c0_i32_0 = arith.constant 0 : i32
    %c0_i32_1 = arith.constant 0 : i32
    return %c0_i32, %c0_i32_0 : i32, i32
  }
  func.func @transform_6(%arg0: i32) -> (i32, i32) {
    %c0_i32 = arith.constant 0 : i32
    %c0_i32_0 = arith.constant 0 : i32
    %c0_i32_1 = arith.constant 0 : i32
    return %c0_i32, %c0_i32_0 : i32, i32
  }
  func.func @transform_7(%arg0: i32) -> (i32, i32) {
    %c0_i32 = arith.constant 0 : i32
    %c0_i32_0 = arith.constant 0 : i32
    %c0_i32_1 = arith.constant 0 : i32
    return %c0_i32, %c0_i32_0 : i32, i32
  }
  func.func @transform_8(%arg0: i32) -> (i32, i32) {
    %c0_i32 = arith.constant 0 : i32
    %c0_i32_0 = arith.constant 0 : i32
    %c0_i32_1 = arith.constant 0 : i32
    return %c0_i32, %c0_i32_0 : i32, i32
  }
  func.func @transform_9(%arg0: i32) -> (i32, i32) {
    %c0_i32 = arith.constant 0 : i32
    %c0_i32_0 = arith.constant 0 : i32
    %c0_i32_1 = arith.constant 0 : i32
    return %c0_i32, %c0_i32_0 : i32, i32
  }
  func.func @transform_10(%arg0: i32) -> (i32, i32) {
    %c0_i32 = arith.constant 0 : i32
    %c0_i32_0 = arith.constant 0 : i32
    %c0_i32_1 = arith.constant 0 : i32
    return %c0_i32, %c0_i32_0 : i32, i32
  }
  func.func @transform_11(%arg0: i32) -> (i32, i32) {
    %c0_i32 = arith.constant 0 : i32
    %c0_i32_0 = arith.constant 0 : i32
    %c0_i32_1 = arith.constant 0 : i32
    return %c0_i32, %c0_i32_0 : i32, i32
  }
  func.func @transform_12(%arg0: i32) -> (i32, i32) {
    %c0_i32 = arith.constant 0 : i32
    %c0_i32_0 = arith.constant 0 : i32
    return %arg0, %c0_i32 : i32, i32
  }
  func.func @transform_13(%arg0: i32) -> (i32, i32) {
    %c0_i32 = arith.constant 0 : i32
    %c0_i32_0 = arith.constant 0 : i32
    return %arg0, %c0_i32 : i32, i32
  }
}

</mosaic_0001>

<sc_bundles>
// kernel: kernel.4.cloned.1.call-start
scs
__scs_entry_jumppad:
0x0: {  	(pc) =	sbr.rel $0x88, $3  }
0x1: {  	(tag) =	ssettag $0x0;
	lr =	simm.s32 $0x1  }
0x2: {  	[smem:$0x3F98] =	sst lr;
	_ =	strace $0xD0000000  }
0x3: {  	_ = 	snop  }
0x4: {  	_ = 	snop  }
0x5: {  	_ = 	snop  }
0x6: {  	_ = 	snop  }
0x7: {  	_ = 	snop  }
__scs_overlays_trampoline_lowered:
0x8: {  	[smem:$0x3FA7] =	sst s0  }
0x9: {  	[smem:$0x3FA8] =	sst s1  }
0xa: {  	[smem:$0x3FA9] =	sst s2  }
0xb: {  	[smem:$0x3FAA] =	sst s3  }
0xc: {  	[smem:$0x3FAB] =	sst s4  }
0xd: {  	[smem:$0x3FAC] =	sst s5  }
0xe: {  	[smem:$0x3FAD] =	sst s6  }
0xf: {  	[smem:$0x3FAE] =	sst s7  }
0x10: {  	[smem:$0x3FAF] =	sst s8  }
0x11: {  	[smem:$0x3FB0] =	sst s9;
	s0 =	simm.s32 @!p0 $0x0  }
0x12: {  	s1 =	sld [smem:$0x3F96];
	s0 =	simm.s32 @p0 $0x1  }
0x13: {  	[smem:$0x3FB1] =	sst s0;
	s0 =	simm.s32 @!p1 $0x0  }
0x14: {  	s2 =	sld [smem:$0x3F95];
	s0 =	simm.s32 @p1 $0x1  }
0x15: {  	[smem:$0x3FB2] =	sst s0;
	s0 =	simm.s32 @!p2 $0x0  }
0x16: {  	s3 =	sld [smem:$0x3FDB];
	s0 =	simm.s32 @p2 $0x1  }
0x17: {  	s4 =	simm.s32 $0x1BF5;
	[smem:$0x3FB4] =	sst s0  }
0x18: {  	s0 =	sld [smem:$0x3F97];
	_ =	swait.ge [sflag:s4], $0x0  }
0x19: {  	s7 =	sld [smem:$0x3F98]  }
0x1a: {  	s8 =	sadd.s32 $0xFFFFE003, lr  }
0x1b: {  	s9 =	sadd.s32 $0xFFFFFEF7, lr;
	s5 =	simm.s32 $0xFFFFFFFF;
	p2 =	slt.u32 s8, $0xFFFFF086  }
0x1c: {  	p1 =	slt.u32 s9, $0xF7A;
	s5 =	simm.s32 @!p2 $0x0  }
0x1d: {  	s5 =	simm.s32 @p1 $0x1;
	p0 =	seq.s32 s7, s2  }
0x1e: {  	s7 =	smul.u32 @!p0 $0xF7A, s2;
	p2 =	seq.s32 @!p0 s5, $0x0  }
0x1f: {  	s9 =	smul.u32 $0xF7A, s1;
	s8 =	simm.s32 @!p0 $0x1BF5;
	p2 =	por !p2, p0  }
0x20: {  	[sflag:s8] =	ssyncset.s32 @!p0 $0xFFFFF086;
	s6 =	sadd.s32 @!p0 s3, s7;
	s7 =	simm.s32 @!p0 $0x108  }
0x21: {  	s3 =	sadd.s32 s3, s9;
	s6 =	sadd.s32 @!p0 $0x88, s6;
	s7 =	simm.s32 @p2 $0x1082  }
0x22: {  	[simem:s7], [sflag:s8] =	dma.local @!p0 [hbm:s6], $0xF7A  }
0x23: {  	s9 =	sor.u32 $0xD0000000, s2;
	s6 =	simm.s32 $0x108;
	_ =	swait.ge @!p0 [sflag:s8], $0x0  }
0x24: {  	s3 =	sadd.s32 $0x88, s3;
	s6 =	simm.s32 @!p1 $0x1082;
	[sflag:s4] =	ssyncset.s32 $0xFFFFF086  }
0x25: {  	[simem:s6], [sflag:s4] =	dma.local [hbm:s3], $0xF7A  }
0x26: {  	[smem:$0x3F98] =	sst s1;
	(tag) =	ssettag s2;
	_ =	strace s9  }
0x27: {  	s1 =	sld [smem:$0x3FA8]  }
0x28: {  	s2 =	sld [smem:$0x3FA9]  }
0x29: {  	s4 =	sld [smem:$0x3FAB]  }
0x2a: {  	p0 =	seq.s32 s5, $0x0;
	s5 =	sld [smem:$0x3FAC]  }
0x2b: {  	s6 =	sld [smem:$0x3FAD]  }
0x2c: {  	s7 =	sld [smem:$0x3FAE]  }
0x2d: {  	s3 =	simm.s32 $0x108;
	s8 =	sld [smem:$0x3FAF]  }
0x2e: {  	s3 =	simm.s32 @!p0 $0x1082;
	s9 =	sld [smem:$0x3FB0]  }
0x2f: {  	lr =	sadd.s32 s0, s3;
	s0 =	sld [smem:$0x3FA7]  }
0x30: {  	s3 =	sld [smem:$0x3FAA]  }
0x31: {  	[smem:$0x3FB3] =	sst s10  }
0x32: {  	s10 =	sld [smem:$0x3FB1];
	_ =	sdelay $0x3  }
0x33: {  	p0 =	seq.s32 s10, $0x1;
	s10 =	sld [smem:$0x3FB3];
	_ =	sdelay $0x3  }
0x34: {  	[smem:$0x3FB3] =	sst s10  }
0x35: {  	s10 =	sld [smem:$0x3FB2];
	_ =	sdelay $0x3  }
0x36: {  	p1 =	seq.s32 s10, $0x1;
	s10 =	sld [smem:$0x3FB3];
	_ =	sdelay $0x3  }
0x37: {  	[smem:$0x3FB3] =	sst s10  }
0x38: {  	s10 =	sld [smem:$0x3FB4]  }
0x39: {  	_ = 	snop;
	(pc) =	sbr.ind lr, $3  }
0x3a: {  	_ = 	snop  }
0x3b: {  	_ = 	snop  }
0x3c: {  	p2 =	seq.s32 s10, $0x1;
	s10 =	sld [smem:$0x3FB3]  }
0x3d: {  	_ =	shalt  }
0x3e: {  	_ =	shalt  }
0x3f: {  	_ =	shalt  }
0x40: {  	_ =	shalt  }
0x41: {  	_ =	shalt  }
0x42: {  	_ =	shalt  }
0x43: {  	_ =	shalt  }
0x44: {  	_ =	shalt  }
0x45: {  	_ =	shalt  }
0x46: {  	_ =	shalt  }
0x47: {  	_ =	shalt  }
0x48: {  	_ =	shalt  }
0x49: {  	_ =	shalt  }
0x4a: {  	_ =	shalt  }
0x4b: {  	_ =	shalt  }
0x4c: {  	_ =	shalt  }
0x4d: {  	_ =	shalt  }
0x4e: {  	_ =	shalt  }
0x4f: {  	_ =	shalt  }
0x50: {  	_ =	shalt  }
0x51: {  	_ =	shalt  }
0x52: {  	_ =	shalt  }
0x53: {  	_ =	shalt  }
0x54: {  	_ =	shalt  }
0x55: {  	_ =	shalt  }
0x56: {  	_ =	shalt  }
0x57: {  	_ =	shalt  }
0x58: {  	_ =	shalt  }
0x59: {  	_ =	shalt  }
0x5a: {  	_ =	shalt  }
0x5b: {  	_ =	shalt  }
0x5c: {  	_ =	shalt  }
0x5d: {  	_ =	shalt  }
0x5e: {  	_ =	shalt  }
0x5f: {  	_ =	shalt  }
0x60: {  	_ =	shalt  }
0x61: {  	_ =	shalt  }
0x62: {  	_ =	shalt  }
0x63: {  	_ =	shalt  }
0x64: {  	_ =	shalt  }
0x65: {  	_ =	shalt  }
0x66: {  	_ =	shalt  }
0x67: {  	_ =	shalt  }
0x68: {  	_ =	shalt  }
0x69: {  	_ =	shalt  }
0x6a: {  	_ =	shalt  }
0x6b: {  	_ =	shalt  }
0x6c: {  	_ =	shalt  }
0x6d: {  	_ =	shalt  }
0x6e: {  	_ =	shalt  }
0x6f: {  	_ =	shalt  }
0x70: {  	_ =	shalt  }
0x71: {  	_ =	shalt  }
0x72: {  	_ =	shalt  }
0x73: {  	_ =	shalt  }
0x74: {  	_ =	shalt  }
0x75: {  	_ =	shalt  }
0x76: {  	_ =	shalt  }
0x77: {  	_ =	shalt  }
0x78: {  	_ =	shalt  }
0x79: {  	_ =	shalt  }
0x7a: {  	_ =	shalt  }
0x7b: {  	_ =	shalt  }
0x7c: {  	_ =	shalt  }
0x7d: {  	_ =	shalt  }
0x7e: {  	_ =	shalt  }
0x7f: {  	_ =	shalt  }
0x80: {  	_ =	shalt  }
0x81: {  	_ =	shalt  }
0x82: {  	_ =	shalt  }
0x83: {  	_ =	shalt  }
0x84: {  	_ =	shalt  }
0x85: {  	_ =	shalt  }
0x86: {  	_ =	shalt  }
0x87: {  	_ =	shalt  }
.Lfunc_end0:
.L_simem_size_0:
called_computation_lowered:
.L_overlay_start_0:
0x88: {  	s2 =	sld [smem:$0x3FD9]  }
0x89: {  	s3 =	sld [smem:$0x3FFE];
	_ =	sdelay $0x1  }
0x8a: {  	s1 =	srdreg.scid  }
0x8b: {  	s0 =	sand.u32 $0x1, s1  }
0x8c: {  	s17 =	sshll.u32 s0, $0xA;
	s2 =	sadd.s32 s3, s2  }
0x8d: {  	s2 =	sadd.s32 s2, s17  }
0x8e: {  	[smem:$0x3FBF] =	sst s2  }
0x8f: {  	_ = 	snop  }
0x90: {  	s2 =	sld [smem:$0x3FD0];
	(tm) =	ssettm $0x1  }
0x91: {  	s18 =	sld [smem:$0x3FFB];
	_ =	sdelay $0x3  }
0x92: {  	_ =	strace s18  }
0x93: {  	s3 =	sld [smem:$0x3FFC];
	_ =	sdelay $0x3  }
0x94: {  	_ =	strace s3  }
0x95: {  	s3 =	sld [smem:$0x3FFD];
	_ =	sdelay $0x3  }
0x96: {  	_ =	strace s3  }
0x97: {  	_ =	strace $0x8FFFFFFF  }
0x98: {  	s19 =	sld [smem:$0x3FDB];
	_ =	sdelay $0x1  }
0x99: {  	s4 =	simm.s32 $_scs_section_size  }
0x9a: {  	s5 =	simm.s32 $_size__tile_overlayer_lowered;
	s6 =	simm.s32 $_tile_overlayer_lowered  }
0x9b: {  	s22 =	simm.s32 $0x1BFF;
	s21 =	sshll.u32 s6, $0x1;
	s3 =	sadd.s32 s4, s19  }
0x9c: {  	s7 =	simm.s32 $0x0;
	s20 =	sshll.u32 s5, $0x1;
	s5 =	sadd.s32 s21, s3  }
0x9d: {  	[timem:s7], [sflag:s22] =	dma.local [hbm:s5], s20  }
0x9e: {  	_ =	swait.ge [sflag:s22], s20  }
0x9f: {  	s4 =	ssub.s32 $0x0, s20;
	[sflag:s22] =	ssyncset.done $0x0  }
0xa0: {  	[sflag:s22] =	ssyncadd.s32 s4;
	_ =	sdelay $0x1  }
0xa1: {  	s23 =	simm.s32 $0x1B8B  }
0xa2: {  	_ =	swait.ge [sflag:s23], $0x1  }
0xa3: {  	[sflag:s23] =	ssyncset.done $0x0  }
0xa4: {  	s25 =	simm.s32 $0x1B8E;
	s24 =	sld [smem:$0x3FFE];
	[sflag:s23] =	ssyncadd.s32 $0xFFFFFFFF  }
0xa5: {  	s26 =	simm.s32 $execute0_lowered;
	[smem:$0x3FD2] =	sst s25  }
0xa6: {  	s5 =	sshll.u32 s26, $0x1;
	_ =	strace $0x80000046;
	[dreg:$0x1] =	wrdreg $0xFFFFFFFF  }
0xa7: {  	s28 =	simm.s32 $_size_execute0_lowered;
	s3 =	sadd.s32 s3, s5;
	[dreg:$0x0] =	wrdreg $0x0  }
0xa8: {  	s5 =	sshll.u32 s28, $0x1;
	[dreg:$0x2] =	wrdreg s3  }
0xa9: {  	[dreg:$0x3] =	wrdreg s5  }
0xaa: {  	[dreg:$0x4] =	wrdreg $0xC0  }
0xab: {  	_ =	task [dreg:s7], $0x5FFFF  }
0xac: {  	[dreg:$0x1] =	wrdreg $0xFFFFFFFF  }
0xad: {  	[dreg:$0x0] =	wrdreg $0x60  }
0xae: {  	[dreg:$0x2] =	wrdreg s24  }
0xaf: {  	[dreg:$0x3] =	wrdreg s2  }
0xb0: {  	[dreg:$0x4] =	wrdreg $0x14F000  }
0xb1: {  	[dreg:$0x5] =	wrdreg $0xB1000  }
0xb2: {  	[dreg:$0x6] =	wrdreg $0x9  }
0xb3: {  	_ =	task.clear_ibuf [dreg:s7], $0x7FFFF;
	_ =	strace $0x90000046  }
0xb4: {  	s29 =	simm.s32 $0x9;
	_ =	strace $0x80000048  }
0xb5: {  	_ =	swait.ge [sflag:s29], $0x1  }
0xb6: {  	[sflag:s29] =	ssyncadd.s32 $0xFFFFFFFF  }
0xb7: {  	_ =	strace $0x90000048  }
0xb8: {  	_ =	sfence  }
0xb9: {  	s30 =	sld [smem:$0x0];
	_ =	sdelay $0x2  }
0xba: {  	s31 =	sshll.u32 s1, $0xD;
	s1 =	sshrl.u32 s1, $0x2  }
0xbb: {  	s3 =	sand.u32 $0x4000, s31;
	s1 =	sadd.s32 s1, s30  }
0xbc: {  	s0 =	sor.u32 s3, s0;
	s1 =	sshll.u32 s1, $0x11  }
0xbd: {  	s0 =	sor.u32 s1, s0  }
0xbe: {  	s0 =	sadd.s32 $0x8F2B, s0  }
0xbf: {  	[sflag:s0] =	ssyncadd.remote.s32 $0x1  }
0xc0: {  	_ =	sfence.sel $0xFFFF  }
0xc1: {  	[dreg:$0x0] =	wrdreg $0xFFFFFFFF;
	(pc) =	sbr.abs _section_cstart, $3  }
0xc2: {  	[dreg:$0x1] =	wrdreg $0xFFFFFFFF  }
0xc3: {  	_ =	task.clear_ibuf [dreg:s7], $0x2FFFF;
	_ =	strace $0x9FFFFFFF  }
0xc4: {  	(tm) =	ssettm $0x7FFFFFFF  }
0xc5: {  	_ =	shalt  }
tec
execute0_lowered:
.L_overlay_start_1:
0x0: {  	(tag) =	ssettag $0x1  }
0x1: {  	s0 =	rddreg [dreg:$0x0]  }
0x2: {  	s3 =	rddreg [dreg:$0x2]  }
0x3: {  	s4 =	rddreg [dreg:$0x3]  }
0x4: {  	s1 =	stileid.u32;
	s5 =	simm.s32 $0x0;
	s7 =	srdreg.scid  }
0x5: {  	s17 =	simm.s32 $0x7;
	s22 =	simm.s32 $0x80;
	s23 =	simm.s32 $0x5100  }
0x6: {  	s28 =	simm.s32 $0x1;
	s29 =	simm.s32 $0x2;
	s30 =	simm.s32 $0x3  }
0x7: {  	s31 =	simm.s32 $0x4;
	s18 =	simm.s32 $0x5000;
	s2 =	smul.u32 $0x13C00, s1  }
0x8: {  	[smem:$0x7FF] =	sst s5;
	s8 =	smul.u32 $0x510, s1;
	s11 =	sand.u32 $0x1, s7  }
0x9: {  	s7 =	sadd.s32 $0x28E00, s0;
	s13 =	sadd.s32 $0x34600, s0;
	s25 =	sadd.s32 $0x27C40, s0  }
0xa: {  	p1 =	seq.s32 s1, $0xF;
	_ =	strace $0x80000047;
	s9 =	ssub.s32 $0x2, s11  }
0xb: {  	[dreg:$0x5] =	wrdreg s13;
	p0 =	seq.s32 s11, $0x1;
	s11 =	sadd.s32 $0x94200, s3  }
0xc: {  	[dreg:$0x7] =	wrdreg s25;
	s6 =	sshrl.u32 s2, $0x4;
	s8 =	sadd.s32 s8, s0  }
0xd: {  	s10 =	sshrl.u32 s9, $0x1;
	s2 =	sshrl.u32 s2, $0x1;
	s19 =	sshrl.u32 @p1 s11, $0x3  }
0xe: {  	s11 =	simm.s32 $0x5080;
	s12 =	sadd.s32 s6, s0;
	s14 =	ssub.s32 s9, s10  }
0xf: {  	s9 =	sadd.s32 $0x2F400, s8;
	s10 =	sadd.s32 $0x2A200, s8;
	s8 =	sadd.s32 s2, s3  }
0x10: {  	s13 =	sadd.s32 s2, s4;
	s0 =	sadd.s32 $0x14240, s0;
	s2 =	simm.s32 $0x6  }
.Ltmp0:
0x11: {  	s24 =	sadd.s32 $0x15400, s12;
	s26 =	sadd.s32 $0x1A00, s12;
	(pc) =	sbr.rel .LBB2_1-.Ltmp0, $4  }
0x12: {  	[dreg:$0x9] =	wrdreg s0;
	s16 =	smax.u32 s14, $0x1;
	s0 =	sshll.u32 @!p1 s1, $0x6  }
0x13: {  	s21 =	sshrl.u32 @!p1 s8, $0x3;
	s8 =	simm.s32 $0x4F80;
	[dreg:$0x6] =	wrdreg s24  }
0x14: {  	s12 =	simm.s32 $0x0;
	[dreg:$0x8] =	wrdreg s26;
	s20 =	sor.u32 @!p1 $0x1C07, s0  }
0x15: {  	s24 =	simm.s32 $0x7100;
	s26 =	simm.s32 $0x9100;
	s0 =	simm.s32 $0x5  }
.LBB2_7:
0x16: {  	[tilespmem:s26], [sflag:$0x3] =	stream.indirect.gather [spmem:s3], $0x40, s25, s22, $0xb8;
	[tilespmem:$0x1ED00] =	vst v63  }
0x17: {  	s15 =	rddreg [dreg:$0x5]  }
.LBB2_8:
0x18: {  	_ =	swait.ge [sflag:s28], $0x2000  }
0x19: {  	[sflag:s28] =	ssyncset.done $0x0  }
0x1a: {  	[sflag:s28] =	ssyncadd.s32 $0xFFFFE000  }
0x1b: {  	[spmem:s4] =	stream.indirect.scatter.add.bf16 [tilespmem:s23], [sflag:$0x4], $0x40, s8, s22, $0xb8;
	[tilespmem:$0x1ED00] =	vst v63  }
0x1c: {  	_ =	swait.ge [sflag:s29], $0x2000  }
0x1d: {  	[sflag:s29] =	ssyncset.done $0x0  }
0x1e: {  	[sflag:s29] =	ssyncadd.s32 $0xFFFFE000  }
0x1f: {  	[spmem:s4] =	stream.indirect.scatter.add.bf16 [tilespmem:s24], [sflag:$0x5], $0x40, s18, s22, $0xb8;
	[tilespmem:$0x1ED00] =	vst v63  }
0x20: {  	_ =	swait.ge [sflag:s30], $0x2000  }
0x21: {  	[sflag:s30] =	ssyncset.done $0x0  }
0x22: {  	[sflag:s30] =	ssyncadd.s32 $0xFFFFE000  }
0x23: {  	[spmem:s4] =	stream.indirect.scatter.add.bf16 [tilespmem:s26], [sflag:$0x6], $0x40, s11, s22, $0xb8;
	[tilespmem:$0x1ED00] =	vst v63  }
0x24: {  	_ =	swait.ge [sflag:s31], $0x2000  }
0x25: {  	[sflag:s31] =	ssyncset.done $0x0  }
0x26: {  	[sflag:s31] =	ssyncadd.s32 $0xFFFFE000  }
0x27: {  	_ =	swait.ge [sflag:s0], $0x2000  }
0x28: {  	[sflag:s0] =	ssyncset.done $0x0  }
0x29: {  	[sflag:s0] =	ssyncadd.s32 $0xFFFFE000  }
0x2a: {  	_ =	swait.ge [sflag:s2], $0x2000  }
0x2b: {  	s12 =	sadd.s32 $0x1, s12;
	[sflag:s2] =	ssyncset.done $0x0  }
0x2c: {  	s1 =	sadd.s32 s15, s6;
	p2 =	sne.s32 s12, s16;
	[sflag:s2] =	ssyncadd.s32 $0xFFFFE000  }
.Ltmp1:
0x2d: {  	s25 =	sshrl.u32 s13, $0x3;
	[bflag:$0x0] =	sbarrier.arrive $0xFFFF;
	(pc) =	sbr.rel @!p2 .LBB2_9-.Ltmp1, $4  }
0x2e: {  	[hbm:s1], [sflag:s14] =	dma.local [spmem:s25], $0x13C0  }
0x2f: {  	_ =	swait.ge [sflag:s17], $0x13C0  }
0x30: {  	[sflag:s17] =	ssyncset.done $0x0  }
0x31: {  	[sflag:s17] =	ssyncadd.s32 $0xFFFFEC40  }
.LBB2_1:
0x32: {  	[tilespmem:s5], [sflag:$0x7] =	stream.linear.gather [hbm4b:s9+s5], $0x2880, $0x38;
	[tilespmem:$0x1ED00] =	vst v63  }
0x33: {  	_ =	swait.ge [sflag:s17], $0x2880  }
0x34: {  	[sflag:s17] =	ssyncset.done $0x0  }
.Ltmp2:
0x35: {  	s1 =	simm.s32 $0x2880;
	[sflag:s17] =	ssyncadd.s32 $0xFFFFD780;
	(pc) =	sbr.rel @!p0 .LBB2_2-.Ltmp2, $4  }
0x36: {  	[tilespmem:s1], [sflag:$0x7] =	stream.linear.gather [hbm4b:s10+s5], $0x2880, $0x38;
	[tilespmem:$0x1ED00] =	vst v63  }
0x37: {  	_ =	swait.ge [sflag:s17], $0x2880  }
0x38: {  	[sflag:s17] =	ssyncset.done $0x0  }
0x39: {  	[sflag:s17] =	ssyncadd.s32 $0xFFFFD780  }
0x3a: {  	s1 =	simm.s32 @p1 $0x1FC7;
	s14 =	rddreg [dreg:$0x9]  }
0x3b: {  	[spmem:s19], [sflag:s1] =	dma.local @p1 [hbm:s14], $0x1040  }
0x3c: {  	s1 =	simm.s32 @p1 $0x7  }
0x3d: {  	_ =	swait.ge @p1 [sflag:s1], $0x1040  }
0x3e: {  	[sflag:s1] =	ssyncset.done @p1 $0x0  }
0x3f: {  	[sflag:s1] =	ssyncadd.s32 @p1 $0xFFFFEFC0;
	s1 =	rddreg [dreg:$0x8]  }
0x40: {  	[spmem:s21], [sflag:s20] =	dma.local @!p1 [hbm:s1], $0x13C0  }
0x41: {  	s1 =	simm.s32 @!p1 $0x7  }
0x42: {  	s25 =	stileid.u32;
	_ =	swait.ge @!p1 [sflag:s1], $0x13C0  }
0x43: {  	s14 =	sshll.u32 s25, $0x6;
	[sflag:s1] =	ssyncset.done @!p1 $0x0  }
0x44: {  	s15 =	sshrl.u32 s13, $0x3;
	s14 =	sor.u32 $0x1C07, s14;
	[sflag:s1] =	ssyncadd.s32 @!p1 $0xFFFFEC40  }
0x45: {  	[spmem:s15], [sflag:s14] =	dma.local [hbm:s7], $0x13C0  }
0x46: {  	_ =	swait.ge [sflag:s17], $0x13C0  }
0x47: {  	[sflag:s17] =	ssyncset.done $0x0  }
0x48: {  	[sflag:s17] =	ssyncadd.s32 $0xFFFFEC40  }
0x49: {  	s25 =	simm.s32 $0x0;
	[bflag:$0x0] =	sbarrier.arrive $0xFFFF  }
0x4a: {  	[tilespmem:s23], [sflag:$0x1] =	stream.indirect.gather [spmem:s3], $0x40, s25, s22, $0xb8;
	[tilespmem:$0x1ED00] =	vst v63  }
0x4b: {  	_ = 	snop  }
0x4c: {  	[tilespmem:s24], [sflag:$0x2] =	stream.indirect.gather [spmem:s3], $0x40, s22, s22, $0xb8;
	[tilespmem:$0x1ED00] =	vst v63  }
0x4d: {  	s15 =	simm.s32 $0x100  }
0x4e: {  	[tilespmem:s26], [sflag:$0x3] =	stream.indirect.gather [spmem:s3], $0x40, s15, s22, $0xb8;
	[tilespmem:$0x1ED00] =	vst v63  }
0x4f: {  	_ =	swait.ge [sflag:s28], $0x2000  }
0x50: {  	[sflag:s28] =	ssyncset.done $0x0  }
0x51: {  	s25 =	simm.s32 $0x2880;
	[sflag:s28] =	ssyncadd.s32 $0xFFFFE000  }
0x52: {  	[spmem:s4] =	stream.indirect.scatter.add.bf16 [tilespmem:s23], [sflag:$0x4], $0x40, s25, s22, $0xb8;
	[tilespmem:$0x1ED00] =	vst v63  }
0x53: {  	_ =	swait.ge [sflag:s29], $0x2000  }
0x54: {  	[sflag:s29] =	ssyncset.done $0x0  }
0x55: {  	s15 =	simm.s32 $0x2900;
	[sflag:s29] =	ssyncadd.s32 $0xFFFFE000  }
0x56: {  	[spmem:s4] =	stream.indirect.scatter.add.bf16 [tilespmem:s24], [sflag:$0x5], $0x40, s15, s22, $0xb8;
	[tilespmem:$0x1ED00] =	vst v63  }
0x57: {  	_ =	swait.ge [sflag:s30], $0x2000  }
0x58: {  	[sflag:s30] =	ssyncset.done $0x0  }
0x59: {  	s25 =	simm.s32 $0x2980;
	[sflag:s30] =	ssyncadd.s32 $0xFFFFE000  }
0x5a: {  	[spmem:s4] =	stream.indirect.scatter.add.bf16 [tilespmem:s26], [sflag:$0x6], $0x40, s25, s22, $0xb8;
	[tilespmem:$0x1ED00] =	vst v63  }
0x5b: {  	_ =	swait.ge [sflag:s31], $0x2000  }
0x5c: {  	[sflag:s31] =	ssyncset.done $0x0  }
0x5d: {  	s15 =	simm.s32 $0x180;
	[sflag:s31] =	ssyncadd.s32 $0xFFFFE000  }
0x5e: {  	[tilespmem:s23], [sflag:$0x1] =	stream.indirect.gather [spmem:s3], $0x40, s15, s22, $0xb8;
	[tilespmem:$0x1ED00] =	vst v63  }
0x5f: {  	_ =	swait.ge [sflag:s0], $0x2000  }
0x60: {  	[sflag:s0] =	ssyncset.done $0x0  }
0x61: {  	s25 =	simm.s32 $0x200;
	[sflag:s0] =	ssyncadd.s32 $0xFFFFE000  }
0x62: {  	[tilespmem:s24], [sflag:$0x2] =	stream.indirect.gather [spmem:s3], $0x40, s25, s22, $0xb8;
	[tilespmem:$0x1ED00] =	vst v63  }
0x63: {  	_ =	swait.ge [sflag:s2], $0x2000  }
0x64: {  	[sflag:s2] =	ssyncset.done $0x0  }
0x65: {  	s15 =	simm.s32 $0x600;
	s25 =	simm.s32 $0x280;
	[sflag:s2] =	ssyncadd.s32 $0xFFFFE000  }
.LBB2_6:
0x66: {  	[tilespmem:s26], [sflag:$0x3] =	stream.indirect.gather [spmem:s3], $0x40, s25, s22, $0xb8;
	[tilespmem:$0x1ED00] =	vst v63  }
0x67: {  	s1 =	smov.u32 s15  }
0x68: {  	p2 =	sne.s32 s15, $0x9600;
	s15 =	sadd.s32 $0x600, s15;
	_ =	swait.ge [sflag:s28], $0x2000  }
0x69: {  	s1 =	sshra.s32 s1, $0x2;
	[sflag:s28] =	ssyncset.done $0x0  }
0x6a: {  	s25 =	sadd.s32 $0x2880, s1;
	[sflag:s28] =	ssyncadd.s32 $0xFFFFE000  }
0x6b: {  	[spmem:s4] =	stream.indirect.scatter.add.bf16 [tilespmem:s23], [sflag:$0x4], $0x40, s25, s22, $0xb8;
	[tilespmem:$0x1ED00] =	vst v63  }
0x6c: {  	_ =	swait.ge [sflag:s29], $0x2000  }
0x6d: {  	[sflag:s29] =	ssyncset.done $0x0  }
0x6e: {  	s25 =	sadd.s32 $0x2900, s1;
	[sflag:s29] =	ssyncadd.s32 $0xFFFFE000  }
0x6f: {  	[spmem:s4] =	stream.indirect.scatter.add.bf16 [tilespmem:s24], [sflag:$0x5], $0x40, s25, s22, $0xb8;
	[tilespmem:$0x1ED00] =	vst v63  }
0x70: {  	_ =	swait.ge [sflag:s30], $0x2000  }
0x71: {  	[sflag:s30] =	ssyncset.done $0x0  }
0x72: {  	s25 =	sadd.s32 $0x2980, s1;
	[sflag:s30] =	ssyncadd.s32 $0xFFFFE000  }
0x73: {  	[spmem:s4] =	stream.indirect.scatter.add.bf16 [tilespmem:s26], [sflag:$0x6], $0x40, s25, s22, $0xb8;
	[tilespmem:$0x1ED00] =	vst v63  }
0x74: {  	_ =	swait.ge [sflag:s31], $0x2000  }
0x75: {  	[sflag:s31] =	ssyncset.done $0x0  }
0x76: {  	s25 =	sadd.s32 $0x180, s1;
	[sflag:s31] =	ssyncadd.s32 $0xFFFFE000  }
0x77: {  	[tilespmem:s23], [sflag:$0x1] =	stream.indirect.gather [spmem:s3], $0x40, s25, s22, $0xb8;
	[tilespmem:$0x1ED00] =	vst v63  }
0x78: {  	_ =	swait.ge [sflag:s0], $0x2000  }
0x79: {  	[sflag:s0] =	ssyncset.done $0x0  }
.Ltmp3:
0x7a: {  	s25 =	sadd.s32 $0x200, s1;
	[sflag:s0] =	ssyncadd.s32 $0xFFFFE000;
	(pc) =	sbr.rel @p2 .LBB2_6-.Ltmp3, $4  }
0x7b: {  	[tilespmem:s24], [sflag:$0x2] =	stream.indirect.gather [spmem:s3], $0x40, s25, s22, $0xb8;
	[tilespmem:$0x1ED00] =	vst v63  }
0x7c: {  	_ =	swait.ge [sflag:s2], $0x2000  }
0x7d: {  	[sflag:s2] =	ssyncset.done $0x0  }
0x7e: {  	s25 =	sadd.s32 $0x280, s1;
	[sflag:s2] =	ssyncadd.s32 $0xFFFFE000  }
.Ltmp4:
0x7f: {  	_ = 	snop;
	(pc) =	sbr.rel .LBB2_7-.Ltmp4, $1  }
0x80: {  	_ =	sdelay $0x3  }
.LBB2_2:
0x81: {  	s14 =	simm.s32 @p1 $0x1FC7;
	s1 =	rddreg [dreg:$0x7]  }
0x82: {  	[spmem:s19], [sflag:s14] =	dma.local @p1 [hbm:s1], $0x1040  }
0x83: {  	s14 =	simm.s32 @p1 $0x7  }
0x84: {  	_ =	swait.ge @p1 [sflag:s14], $0x1040  }
0x85: {  	[sflag:s14] =	ssyncset.done @p1 $0x0  }
0x86: {  	s1 =	rddreg [dreg:$0x6];
	[sflag:s14] =	ssyncadd.s32 @p1 $0xFFFFEFC0;
	s14 =	simm.s32 @!p1 $0x7  }
0x87: {  	[spmem:s21], [sflag:s20] =	dma.local @!p1 [hbm:s1], $0x13C0  }
0x88: {  	s15 =	stileid.u32;
	_ =	swait.ge @!p1 [sflag:s14], $0x13C0  }
0x89: {  	s15 =	sshll.u32 s15, $0x6;
	[sflag:s14] =	ssyncset.done @!p1 $0x0  }
0x8a: {  	s25 =	sshrl.u32 s13, $0x3;
	[sflag:s14] =	ssyncadd.s32 @!p1 $0xFFFFEC40;
	s14 =	sor.u32 $0x1C07, s15  }
0x8b: {  	[spmem:s25], [sflag:s14] =	dma.local [hbm:s7], $0x13C0  }
0x8c: {  	_ =	swait.ge [sflag:s17], $0x13C0  }
0x8d: {  	[sflag:s17] =	ssyncset.done $0x0  }
0x8e: {  	[sflag:s17] =	ssyncadd.s32 $0xFFFFEC40  }
0x8f: {  	s1 =	simm.s32 $0x0;
	[bflag:$0x0] =	sbarrier.arrive $0xFFFF  }
0x90: {  	[tilespmem:s23], [sflag:$0x1] =	stream.indirect.gather [spmem:s3], $0x40, s1, s22, $0xb8;
	[tilespmem:$0x1ED00] =	vst v63  }
0x91: {  	_ = 	snop  }
0x92: {  	[tilespmem:s24], [sflag:$0x2] =	stream.indirect.gather [spmem:s3], $0x40, s22, s22, $0xb8;
	[tilespmem:$0x1ED00] =	vst v63  }
0x93: {  	s15 =	simm.s32 $0x100  }
0x94: {  	[tilespmem:s26], [sflag:$0x3] =	stream.indirect.gather [spmem:s3], $0x40, s15, s22, $0xb8;
	[tilespmem:$0x1ED00] =	vst v63  }
0x95: {  	_ =	swait.ge [sflag:s28], $0x2000  }
0x96: {  	[sflag:s28] =	ssyncset.done $0x0  }
0x97: {  	s25 =	simm.s32 $0x2880;
	[sflag:s28] =	ssyncadd.s32 $0xFFFFE000  }
0x98: {  	[spmem:s4] =	stream.indirect.scatter.add.bf16 [tilespmem:s23], [sflag:$0x4], $0x40, s25, s22, $0xb8;
	[tilespmem:$0x1ED00] =	vst v63  }
0x99: {  	_ =	swait.ge [sflag:s29], $0x2000  }
0x9a: {  	[sflag:s29] =	ssyncset.done $0x0  }
0x9b: {  	s1 =	simm.s32 $0x2900;
	[sflag:s29] =	ssyncadd.s32 $0xFFFFE000  }
0x9c: {  	[spmem:s4] =	stream.indirect.scatter.add.bf16 [tilespmem:s24], [sflag:$0x5], $0x40, s1, s22, $0xb8;
	[tilespmem:$0x1ED00] =	vst v63  }
0x9d: {  	_ =	swait.ge [sflag:s30], $0x2000  }
0x9e: {  	[sflag:s30] =	ssyncset.done $0x0  }
0x9f: {  	s25 =	simm.s32 $0x2980;
	[sflag:s30] =	ssyncadd.s32 $0xFFFFE000  }
0xa0: {  	[spmem:s4] =	stream.indirect.scatter.add.bf16 [tilespmem:s26], [sflag:$0x6], $0x40, s25, s22, $0xb8;
	[tilespmem:$0x1ED00] =	vst v63  }
0xa1: {  	_ =	swait.ge [sflag:s31], $0x2000  }
0xa2: {  	[sflag:s31] =	ssyncset.done $0x0  }
0xa3: {  	s1 =	simm.s32 $0x180;
	[sflag:s31] =	ssyncadd.s32 $0xFFFFE000  }
0xa4: {  	[tilespmem:s23], [sflag:$0x1] =	stream.indirect.gather [spmem:s3], $0x40, s1, s22, $0xb8;
	[tilespmem:$0x1ED00] =	vst v63  }
0xa5: {  	_ =	swait.ge [sflag:s0], $0x2000  }
0xa6: {  	[sflag:s0] =	ssyncset.done $0x0  }
0xa7: {  	s25 =	simm.s32 $0x200;
	[sflag:s0] =	ssyncadd.s32 $0xFFFFE000  }
0xa8: {  	[tilespmem:s24], [sflag:$0x2] =	stream.indirect.gather [spmem:s3], $0x40, s25, s22, $0xb8;
	[tilespmem:$0x1ED00] =	vst v63  }
0xa9: {  	_ =	swait.ge [sflag:s2], $0x2000  }
0xaa: {  	[sflag:s2] =	ssyncset.done $0x0  }
0xab: {  	s15 =	simm.s32 $0x600;
	s25 =	simm.s32 $0x280;
	[sflag:s2] =	ssyncadd.s32 $0xFFFFE000  }
.LBB2_3:
0xac: {  	[tilespmem:s26], [sflag:$0x3] =	stream.indirect.gather [spmem:s3], $0x40, s25, s22, $0xb8;
	[tilespmem:$0x1ED00] =	vst v63  }
0xad: {  	s25 =	smov.u32 s15  }
0xae: {  	p2 =	seq.s32 s15, $0x9600;
	s15 =	sadd.s32 $0x600, s15;
	_ =	swait.ge [sflag:s28], $0x2000  }
0xaf: {  	s25 =	sshra.s32 s25, $0x2;
	[sflag:s28] =	ssyncset.done $0x0  }
0xb0: {  	s1 =	sadd.s32 $0x2880, s25;
	[sflag:s28] =	ssyncadd.s32 $0xFFFFE000  }
0xb1: {  	[spmem:s4] =	stream.indirect.scatter.add.bf16 [tilespmem:s23], [sflag:$0x4], $0x40, s1, s22, $0xb8;
	[tilespmem:$0x1ED00] =	vst v63  }
0xb2: {  	_ =	swait.ge [sflag:s29], $0x2000  }
0xb3: {  	[sflag:s29] =	ssyncset.done $0x0  }
0xb4: {  	s1 =	sadd.s32 $0x2900, s25;
	[sflag:s29] =	ssyncadd.s32 $0xFFFFE000  }
0xb5: {  	[spmem:s4] =	stream.indirect.scatter.add.bf16 [tilespmem:s24], [sflag:$0x5], $0x40, s1, s22, $0xb8;
	[tilespmem:$0x1ED00] =	vst v63  }
0xb6: {  	_ =	swait.ge [sflag:s30], $0x2000  }
0xb7: {  	[sflag:s30] =	ssyncset.done $0x0  }
0xb8: {  	s1 =	sadd.s32 $0x2980, s25;
	[sflag:s30] =	ssyncadd.s32 $0xFFFFE000  }
0xb9: {  	[spmem:s4] =	stream.indirect.scatter.add.bf16 [tilespmem:s26], [sflag:$0x6], $0x40, s1, s22, $0xb8;
	[tilespmem:$0x1ED00] =	vst v63  }
0xba: {  	_ =	swait.ge [sflag:s31], $0x2000  }
0xbb: {  	[sflag:s31] =	ssyncset.done $0x0  }
0xbc: {  	s1 =	sadd.s32 $0x180, s25;
	[sflag:s31] =	ssyncadd.s32 $0xFFFFE000  }
0xbd: {  	[tilespmem:s23], [sflag:$0x1] =	stream.indirect.gather [spmem:s3], $0x40, s1, s22, $0xb8;
	[tilespmem:$0x1ED00] =	vst v63  }
0xbe: {  	_ =	swait.ge [sflag:s0], $0x2000  }
0xbf: {  	[sflag:s0] =	ssyncset.done $0x0  }
.Ltmp5:
0xc0: {  	s1 =	sadd.s32 $0x200, s25;
	[sflag:s0] =	ssyncadd.s32 $0xFFFFE000;
	(pc) =	sbr.rel @!p2 .LBB2_3-.Ltmp5, $4  }
0xc1: {  	[tilespmem:s24], [sflag:$0x2] =	stream.indirect.gather [spmem:s3], $0x40, s1, s22, $0xb8;
	[tilespmem:$0x1ED00] =	vst v63  }
0xc2: {  	_ =	swait.ge [sflag:s2], $0x2000  }
0xc3: {  	[sflag:s2] =	ssyncset.done $0x0  }
0xc4: {  	s25 =	sadd.s32 $0x280, s25;
	[sflag:s2] =	ssyncadd.s32 $0xFFFFE000  }
.Ltmp6:
0xc5: {  	(pc) =	sbr.rel .LBB2_8-.Ltmp6, $3  }
0xc6: {  	_ =	sdelay $0x1  }
0xc7: {  	[tilespmem:s26], [sflag:$0x3] =	stream.indirect.gather [spmem:s3], $0x40, s25, s22, $0xb8;
	[tilespmem:$0x1ED00] =	vst v63  }
0xc8: {  	s15 =	rddreg [dreg:$0x1]  }
.LBB2_9:
0xc9: {  	_ =	sfence.sel $0x180000  }
0xca: {  	[bflag:$0x0] =	sbarrier.arrive $0xFFFF  }
0xcb: {  	_ =	strace $0x90000047  }
0xcc: {  	s0 =	stileid.u32;
	[bflag:$0x2] =	sbarrier.arrive $0xFFFF  }
0xcd: {  	p0 =	sne.s32 s0, $0x0;
	s0 =	rddreg [dreg:$0x4]  }
0xce: {  	s0 =	sadd.s32 @!p0 $0x100000, s0  }
0xcf: {  	[sflag:s0] =	ssyncadd.tile.s32 @!p0 $0x1;
	_ =	shalt  }
.Lfunc_end2:
_tile_overlayer_lowered:
.L_overlay_start_2:
0xd0: {  	(tag) =	ssettag $0x2  }
0xd1: {  	s0 =	rddreg [dreg:$0x0];
	s2 =	stileid.u32  }
0xd2: {  	s1 =	rddreg [dreg:$0x1];
	p0 =	sne.s32 s2, $0x0  }
0xd3: {  	s3 =	rddreg [dreg:$0x2];
	[bflag:$0x3] =	sbarrier.arrive $0xFFFF;
	s2 =	simm.s32 @!p0 $0x1C07  }
0xd4: {  	[timem:s3], [sflag:s2] =	dma.local @!p0 [hbm:s0], s1  }
0xd5: {  	s0 =	simm.s32 @!p0 $0x7  }
0xd6: {  	_ =	swait.ge @!p0 [sflag:s0], s1  }
0xd7: {  	s1 =	ssub.s32 @!p0 $0x0, s1;
	[sflag:s0] =	ssyncset.done @!p0 $0x0  }
0xd8: {  	[sflag:s0] =	ssyncadd.s32 @!p0 s1  }
0xd9: {  	[bflag:$0x3] =	sbarrier.arrive $0xFFFF  }
0xda: {  	_ =	shalt  }

</sc_bundles>
